<compile_context>
chip_gen: v7x
topology: tpu7x:2x2x1
jax: 0.10.2.dev20260603
libtpu: 0.0.44.dev20260713+nightly
codegen_flags: <defaults>
</compile_context>

<pallas_src>
import functools
import jax
import jax.numpy as jnp
from jax import lax
from jax.experimental import pallas as pl
from jax.experimental.pallas import tpu as pltpu
from jax.experimental.pallas import tpu_sc as plsc

D = 64
NC, NS = 2, 16
NW = NC * NS
CB = 4
SPLITS = ((0, 104), (104, 96))


def _make_gather(B, L):
    per_w = B // NW
    n_chunks = per_w // CB
    n_pairs = n_chunks // 2
    chunk_rows = CB * L

    @functools.partial(
        pl.kernel,
        mesh=plsc.VectorSubcoreMesh(core_axis_name="c", subcore_axis_name="s"),
        out_type=jax.ShapeDtypeStruct((B, L, D), jnp.float32),
        scratch_types=[
            pltpu.VMEM((2, CB, L), jnp.int32),
            pltpu.VMEM((CB, L, D), jnp.float32),
            pltpu.VMEM((CB, L, D), jnp.float32),
            pltpu.SemaphoreType.DMA,
            pltpu.SemaphoreType.DMA,
            pltpu.SemaphoreType.DMA,
            pltpu.SemaphoreType.DMA,
        ],
        compiler_params=pltpu.CompilerParams(use_tc_tiling_on_sc=False),
    )
    def gather_kernel(idx_hbm, table_hbm, out_hbm, idx_v,
                      rows0, rows1, sg0, sg1, so0, so1):
        rows = [rows0, rows1]
        sg = [sg0, sg1]
        so = [so0, so1]
        wid = lax.axis_index("s") * NC + lax.axis_index("c")
        batch0 = wid * per_w

        def fire_gather(ci, p):
            b0 = batch0 + ci * CB
            pltpu.sync_copy(idx_hbm.at[pl.ds(b0, CB)], idx_v.at[p])
            for r in range(CB):
                for off, ln in SPLITS:
                    pltpu.async_copy(
                        table_hbm.at[idx_v.at[p, r, pl.ds(off, ln)]],
                        rows[p].at[r, pl.ds(off, ln)],
                        sg[p],
                    )

        def drain_gather(p):
            pltpu.make_async_copy(
                out_hbm.at[pl.ds(0, CB)], rows[p], sg[p]
            ).wait()

        def fire_out(ci, p):
            b0 = batch0 + ci * CB
            pltpu.async_copy(rows[p], out_hbm.at[pl.ds(b0, CB)], so[p])

        def drain_out(p):
            pltpu.make_async_copy(
                rows[p], out_hbm.at[pl.ds(0, CB)], so[p]
            ).wait()

        fire_gather(0, 0)

        def body(m, carry):
            ci = 2 * m

            @pl.when(m > 0)
            def _():
                drain_out(1)

            fire_gather(ci + 1, 1)
            drain_gather(0)
            fire_out(ci, 0)
            drain_out(0)

            @pl.when(m < n_pairs - 1)
            def _():
                fire_gather(ci + 2, 0)

            drain_gather(1)
            fire_out(ci + 1, 1)
            return carry

        lax.fori_loop(0, n_pairs, body, 0)
        drain_out(1)

    return gather_kernel


_gather = _make_gather(4096, 200)


def kernel(batch_data, table):
    return _gather(batch_data.astype(jnp.int32), table)

# --- scband reference (transcript-rebuilt; emitter-appended) ---
"""Pipeline reference for scband-embedding-layer-64407329571523 (READ-ONLY COPY).

The authoritative reference and input builder live on the scoring server;
editing this copy changes nothing except your own understanding.
"""

import jax, jax.numpy as jnp
import numpy as np

VOCAB_SIZE = 1000000
EMBED_DIM = 64
BATCH = 4096
MAX_LEN = 200

def setup_inputs(seed: int = 0) -> dict:
    key = jax.random.key(seed)
    k_idx, k_tab = jax.random.split(key)
    batch_data = jax.random.randint(k_idx, (BATCH, MAX_LEN), 0, VOCAB_SIZE, dtype=jnp.int64 if jax.config.jax_enable_x64 else jnp.int32)
    table = jax.random.normal(k_tab, (VOCAB_SIZE, EMBED_DIM), dtype=jnp.float32)
    return {"batch_data": batch_data, "table": table}

def reference(batch_data, table):
    # embedding_mode == 'rand': plain embedding lookup
    embeds = jnp.take(table, batch_data, axis=0)
    return embeds

if __name__ == "__main__":
    import jax
    _d = setup_inputs()
    print(jax.jit(kernel)(*tuple(_d.values())))

</pallas_src>

<mosaic_0001>
#map = affine_map<(d0, d1) -> (0, 0)>
#map1 = affine_map<(d0, d1) -> (0, 0, 0)>
module attributes {stable_mosaic.version = 14 : i64} {
  func.func @gather_kernel(%arg0: i32, %arg1: i32, %arg2: memref<4096x200xi32, #tpu.memory_space<hbm>>, %arg3: memref<1000000x64xf32, #tpu.memory_space<hbm>>, %arg4: memref<4096x200x64xf32, #tpu.memory_space<hbm>>, %arg5: memref<2x4x200xi32, #tpu.memory_space<vmem>>, %arg6: memref<4x200x64xf32, #tpu.memory_space<vmem>>, %arg7: memref<4x200x64xf32, #tpu.memory_space<vmem>>, %arg8: memref<!tpu.dma_semaphore, #tpu.memory_space<semaphore_mem>>, %arg9: memref<!tpu.dma_semaphore, #tpu.memory_space<semaphore_mem>>, %arg10: memref<!tpu.dma_semaphore, #tpu.memory_space<semaphore_mem>>, %arg11: memref<!tpu.dma_semaphore, #tpu.memory_space<semaphore_mem>>) attributes {dimension_semantics = [#tpu.dimension_semantics<core_parallel>, #tpu.dimension_semantics<subcore_parallel>], iteration_bounds = array<i64: 2, 16>, scalar_prefetch = 0 : i64, scratch_operands = 7 : i64, tpu.core_type = #tpu.core_type<sc_vector_subcore>, window_params = [{transform_indices = #map}, {transform_indices = #map}, {transform_indices = #map1}]} {
    %mul3A = arith.constant 2 : i32
    %mul3A_0 = arith.muli %arg1, %mul3A : i32
    %add3A = arith.addi %mul3A_0, %arg0 : i32
    %mul3A_1 = arith.constant 128 : i32
    %mul3A_2 = arith.muli %add3A, %mul3A_1 : i32
    %add3A_3 = arith.constant 0 : i32
    %add3A_4 = arith.addi %mul3A_2, %add3A_3 : i32
    %run_scoped3A = arith.constant 0 : i32
    "tpu.region"() ({
      %run_scoped3A_120 = tpu.sem_alloc : memref<!tpu.dma_semaphore, #tpu.memory_space<semaphore_mem>>
      %dma_start3A_121 = arith.constant 0 : i32
      %dma_start3A_122 = arith.constant 0 : i32
      %dma_start3A_123 = tpu.memref_slice %arg5[%run_scoped3A, %dma_start3A_121, %dma_start3A_122] : memref<2x4x200xi32, #tpu.memory_space<vmem>> -> memref<1x4x200xi32, #tpu.memory_space<vmem>>
      %dma_start3A_124 = tpu.memref_squeeze %dma_start3A_123 : memref<1x4x200xi32, #tpu.memory_space<vmem>> -> memref<4x200xi32, #tpu.memory_space<vmem>>
      %dma_start3A_125 = arith.constant 0 : i32
      %dma_start3A_126 = tpu.memref_slice %arg2[%add3A_4, %dma_start3A_125] : memref<4096x200xi32, #tpu.memory_space<hbm>> -> memref<4x200xi32, #tpu.memory_space<hbm>>
      %dma_start3A_127 = arith.constant 0 : i32
      %dma_start3A_128 = arith.constant 0 : i32
      %dma_start3A_129 = tpu.memref_slice %arg5[%run_scoped3A, %dma_start3A_127, %dma_start3A_128] : memref<2x4x200xi32, #tpu.memory_space<vmem>> -> memref<1x4x200xi32, #tpu.memory_space<vmem>>
      %dma_start3A_130 = tpu.memref_squeeze %dma_start3A_129 : memref<1x4x200xi32, #tpu.memory_space<vmem>> -> memref<4x200xi32, #tpu.memory_space<vmem>>
      %dma_start3A_131 = arith.constant 0 : i32
      %dma_start3A_132 = tpu.memref_slice %arg2[%add3A_4, %dma_start3A_131] : memref<4096x200xi32, #tpu.memory_space<hbm>> -> memref<4x200xi32, #tpu.memory_space<hbm>>
      tpu.enqueue_dma source(%dma_start3A_132 : memref<4x200xi32, #tpu.memory_space<hbm>>) target(%dma_start3A_130 : memref<4x200xi32, #tpu.memory_space<vmem>>) target_semaphore(%run_scoped3A_120 : memref<!tpu.dma_semaphore, #tpu.memory_space<semaphore_mem>>)
      %dma_wait3A_133 = arith.constant 0 : i32
      %dma_wait3A_134 = arith.constant 0 : i32
      %dma_wait3A_135 = tpu.memref_slice %arg5[%run_scoped3A, %dma_wait3A_133, %dma_wait3A_134] : memref<2x4x200xi32, #tpu.memory_space<vmem>> -> memref<1x4x200xi32, #tpu.memory_space<vmem>>
      %dma_wait3A_136 = tpu.memref_squeeze %dma_wait3A_135 : memref<1x4x200xi32, #tpu.memory_space<vmem>> -> memref<4x200xi32, #tpu.memory_space<vmem>>
      %dma_wait3A_137 = arith.constant 0 : i32
      %dma_wait3A_138 = tpu.memref_slice %arg2[%add3A_4, %dma_wait3A_137] : memref<4096x200xi32, #tpu.memory_space<hbm>> -> memref<4x200xi32, #tpu.memory_space<hbm>>
      %dma_wait3A_139 = arith.constant 0 : i32
      %dma_wait3A_140 = arith.constant 0 : i32
      %dma_wait3A_141 = tpu.memref_slice %arg5[%run_scoped3A, %dma_wait3A_139, %dma_wait3A_140] : memref<2x4x200xi32, #tpu.memory_space<vmem>> -> memref<1x4x200xi32, #tpu.memory_space<vmem>>
      %dma_wait3A_142 = tpu.memref_squeeze %dma_wait3A_141 : memref<1x4x200xi32, #tpu.memory_space<vmem>> -> memref<4x200xi32, #tpu.memory_space<vmem>>
      %dma_wait3A_143 = arith.constant 0 : i32
      %dma_wait3A_144 = tpu.memref_slice %arg2[%add3A_4, %dma_wait3A_143] : memref<4096x200xi32, #tpu.memory_space<hbm>> -> memref<4x200xi32, #tpu.memory_space<hbm>>
      tpu.wait_dma2 semaphore(%run_scoped3A_120 : memref<!tpu.dma_semaphore, #tpu.memory_space<semaphore_mem>>) src(%dma_wait3A_144 : memref<4x200xi32, #tpu.memory_space<hbm>>) dst(%dma_wait3A_142 : memref<4x200xi32, #tpu.memory_space<vmem>>)
      tpu.yield
    }) : () -> ()
    %dma_start3A = arith.constant 0 : i32
    %dma_start3A_5 = arith.constant 0 : i32
    %dma_start3A_6 = arith.constant 0 : i32
    %dma_start3A_7 = arith.constant 0 : i32
    %dma_start3A_8 = arith.constant 0 : i32
    %dma_start3A_9 = tpu.memref_slice %arg6[%dma_start3A_6, %dma_start3A_7, %dma_start3A_8] : memref<4x200x64xf32, #tpu.memory_space<vmem>> -> memref<1x104x64xf32, #tpu.memory_space<vmem>>
    %dma_start3A_10 = tpu.memref_squeeze %dma_start3A_9 : memref<1x104x64xf32, #tpu.memory_space<vmem>> -> memref<104x64xf32, #tpu.memory_space<vmem>>
    %dma_start3A_11 = arith.constant 0 : i32
    %dma_start3A_12 = tpu.memref_slice %arg5[%dma_start3A, %dma_start3A_5, %dma_start3A_11] : memref<2x4x200xi32, #tpu.memory_space<vmem>> -> memref<1x1x104xi32, #tpu.memory_space<vmem>>
    %dma_start3A_13 = tpu.memref_squeeze %dma_start3A_12 : memref<1x1x104xi32, #tpu.memory_space<vmem>> -> memref<104xi32, #tpu.memory_space<vmem>>
    %dma_start3A_14 = arith.constant 0 : i32
    %dma_start3A_15 = arith.constant 0 : i32
    %dma_start3A_16 = tpu.memref_slice %arg3[%dma_start3A_14, %dma_start3A_15] : memref<1000000x64xf32, #tpu.memory_space<hbm>> -> memref<1000000x64xf32, #tpu.memory_space<hbm>>
    tpu.enqueue_indirect_dma source(%dma_start3A_16 : memref<1000000x64xf32, #tpu.memory_space<hbm>>) target(%dma_start3A_10 : memref<104x64xf32, #tpu.memory_space<vmem>>) offsets(%dma_start3A_13 : memref<104xi32, #tpu.memory_space<vmem>>) semaphore(%arg8 : memref<!tpu.dma_semaphore, #tpu.memory_space<semaphore_mem>>)
    %dma_start3A_17 = arith.constant 0 : i32
    %dma_start3A_18 = arith.constant 0 : i32
    %dma_start3A_19 = arith.constant 0 : i32
    %dma_start3A_20 = arith.constant 104 : i32
    %dma_start3A_21 = arith.constant 0 : i32
    %dma_start3A_22 = tpu.memref_slice %arg6[%dma_start3A_19, %dma_start3A_20, %dma_start3A_21] : memref<4x200x64xf32, #tpu.memory_space<vmem>> -> memref<1x96x64xf32, #tpu.memory_space<vmem>>
    %dma_start3A_23 = tpu.memref_squeeze %dma_start3A_22 : memref<1x96x64xf32, #tpu.memory_space<vmem>> -> memref<96x64xf32, #tpu.memory_space<vmem>>
    %dma_start3A_24 = arith.constant 104 : i32
    %dma_start3A_25 = tpu.memref_slice %arg5[%dma_start3A_17, %dma_start3A_18, %dma_start3A_24] : memref<2x4x200xi32, #tpu.memory_space<vmem>> -> memref<1x1x96xi32, #tpu.memory_space<vmem>>
    %dma_start3A_26 = tpu.memref_squeeze %dma_start3A_25 : memref<1x1x96xi32, #tpu.memory_space<vmem>> -> memref<96xi32, #tpu.memory_space<vmem>>
    %dma_start3A_27 = arith.constant 0 : i32
    %dma_start3A_28 = arith.constant 0 : i32
    %dma_start3A_29 = tpu.memref_slice %arg3[%dma_start3A_27, %dma_start3A_28] : memref<1000000x64xf32, #tpu.memory_space<hbm>> -> memref<1000000x64xf32, #tpu.memory_space<hbm>>
    tpu.enqueue_indirect_dma source(%dma_start3A_29 : memref<1000000x64xf32, #tpu.memory_space<hbm>>) target(%dma_start3A_23 : memref<96x64xf32, #tpu.memory_space<vmem>>) offsets(%dma_start3A_26 : memref<96xi32, #tpu.memory_space<vmem>>) semaphore(%arg8 : memref<!tpu.dma_semaphore, #tpu.memory_space<semaphore_mem>>)
    %dma_start3A_30 = arith.constant 0 : i32
    %dma_start3A_31 = arith.constant 1 : i32
    %dma_start3A_32 = arith.constant 1 : i32
    %dma_start3A_33 = arith.constant 0 : i32
    %dma_start3A_34 = arith.constant 0 : i32
    %dma_start3A_35 = tpu.memref_slice %arg6[%dma_start3A_32, %dma_start3A_33, %dma_start3A_34] : memref<4x200x64xf32, #tpu.memory_space<vmem>> -> memref<1x104x64xf32, #tpu.memory_space<vmem>>
    %dma_start3A_36 = tpu.memref_squeeze %dma_start3A_35 : memref<1x104x64xf32, #tpu.memory_space<vmem>> -> memref<104x64xf32, #tpu.memory_space<vmem>>
    %dma_start3A_37 = arith.constant 0 : i32
    %dma_start3A_38 = tpu.memref_slice %arg5[%dma_start3A_30, %dma_start3A_31, %dma_start3A_37] : memref<2x4x200xi32, #tpu.memory_space<vmem>> -> memref<1x1x104xi32, #tpu.memory_space<vmem>>
    %dma_start3A_39 = tpu.memref_squeeze %dma_start3A_38 : memref<1x1x104xi32, #tpu.memory_space<vmem>> -> memref<104xi32, #tpu.memory_space<vmem>>
    %dma_start3A_40 = arith.constant 0 : i32
    %dma_start3A_41 = arith.constant 0 : i32
    %dma_start3A_42 = tpu.memref_slice %arg3[%dma_start3A_40, %dma_start3A_41] : memref<1000000x64xf32, #tpu.memory_space<hbm>> -> memref<1000000x64xf32, #tpu.memory_space<hbm>>
    tpu.enqueue_indirect_dma source(%dma_start3A_42 : memref<1000000x64xf32, #tpu.memory_space<hbm>>) target(%dma_start3A_36 : memref<104x64xf32, #tpu.memory_space<vmem>>) offsets(%dma_start3A_39 : memref<104xi32, #tpu.memory_space<vmem>>) semaphore(%arg8 : memref<!tpu.dma_semaphore, #tpu.memory_space<semaphore_mem>>)
    %dma_start3A_43 = arith.constant 0 : i32
    %dma_start3A_44 = arith.constant 1 : i32
    %dma_start3A_45 = arith.constant 1 : i32
    %dma_start3A_46 = arith.constant 104 : i32
    %dma_start3A_47 = arith.constant 0 : i32
    %dma_start3A_48 = tpu.memref_slice %arg6[%dma_start3A_45, %dma_start3A_46, %dma_start3A_47] : memref<4x200x64xf32, #tpu.memory_space<vmem>> -> memref<1x96x64xf32, #tpu.memory_space<vmem>>
    %dma_start3A_49 = tpu.memref_squeeze %dma_start3A_48 : memref<1x96x64xf32, #tpu.memory_space<vmem>> -> memref<96x64xf32, #tpu.memory_space<vmem>>
    %dma_start3A_50 = arith.constant 104 : i32
    %dma_start3A_51 = tpu.memref_slice %arg5[%dma_start3A_43, %dma_start3A_44, %dma_start3A_50] : memref<2x4x200xi32, #tpu.memory_space<vmem>> -> memref<1x1x96xi32, #tpu.memory_space<vmem>>
    %dma_start3A_52 = tpu.memref_squeeze %dma_start3A_51 : memref<1x1x96xi32, #tpu.memory_space<vmem>> -> memref<96xi32, #tpu.memory_space<vmem>>
    %dma_start3A_53 = arith.constant 0 : i32
    %dma_start3A_54 = arith.constant 0 : i32
    %dma_start3A_55 = tpu.memref_slice %arg3[%dma_start3A_53, %dma_start3A_54] : memref<1000000x64xf32, #tpu.memory_space<hbm>> -> memref<1000000x64xf32, #tpu.memory_space<hbm>>
    tpu.enqueue_indirect_dma source(%dma_start3A_55 : memref<1000000x64xf32, #tpu.memory_space<hbm>>) target(%dma_start3A_49 : memref<96x64xf32, #tpu.memory_space<vmem>>) offsets(%dma_start3A_52 : memref<96xi32, #tpu.memory_space<vmem>>) semaphore(%arg8 : memref<!tpu.dma_semaphore, #tpu.memory_space<semaphore_mem>>)
    %dma_start3A_56 = arith.constant 0 : i32
    %dma_start3A_57 = arith.constant 2 : i32
    %dma_start3A_58 = arith.constant 2 : i32
    %dma_start3A_59 = arith.constant 0 : i32
    %dma_start3A_60 = arith.constant 0 : i32
    %dma_start3A_61 = tpu.memref_slice %arg6[%dma_start3A_58, %dma_start3A_59, %dma_start3A_60] : memref<4x200x64xf32, #tpu.memory_space<vmem>> -> memref<1x104x64xf32, #tpu.memory_space<vmem>>
    %dma_start3A_62 = tpu.memref_squeeze %dma_start3A_61 : memref<1x104x64xf32, #tpu.memory_space<vmem>> -> memref<104x64xf32, #tpu.memory_space<vmem>>
    %dma_start3A_63 = arith.constant 0 : i32
    %dma_start3A_64 = tpu.memref_slice %arg5[%dma_start3A_56, %dma_start3A_57, %dma_start3A_63] : memref<2x4x200xi32, #tpu.memory_space<vmem>> -> memref<1x1x104xi32, #tpu.memory_space<vmem>>
    %dma_start3A_65 = tpu.memref_squeeze %dma_start3A_64 : memref<1x1x104xi32, #tpu.memory_space<vmem>> -> memref<104xi32, #tpu.memory_space<vmem>>
    %dma_start3A_66 = arith.constant 0 : i32
    %dma_start3A_67 = arith.constant 0 : i32
    %dma_start3A_68 = tpu.memref_slice %arg3[%dma_start3A_66, %dma_start3A_67] : memref<1000000x64xf32, #tpu.memory_space<hbm>> -> memref<1000000x64xf32, #tpu.memory_space<hbm>>
    tpu.enqueue_indirect_dma source(%dma_start3A_68 : memref<1000000x64xf32, #tpu.memory_space<hbm>>) target(%dma_start3A_62 : memref<104x64xf32, #tpu.memory_space<vmem>>) offsets(%dma_start3A_65 : memref<104xi32, #tpu.memory_space<vmem>>) semaphore(%arg8 : memref<!tpu.dma_semaphore, #tpu.memory_space<semaphore_mem>>)
    %dma_start3A_69 = arith.constant 0 : i32
    %dma_start3A_70 = arith.constant 2 : i32
    %dma_start3A_71 = arith.constant 2 : i32
    %dma_start3A_72 = arith.constant 104 : i32
    %dma_start3A_73 = arith.constant 0 : i32
    %dma_start3A_74 = tpu.memref_slice %arg6[%dma_start3A_71, %dma_start3A_72, %dma_start3A_73] : memref<4x200x64xf32, #tpu.memory_space<vmem>> -> memref<1x96x64xf32, #tpu.memory_space<vmem>>
    %dma_start3A_75 = tpu.memref_squeeze %dma_start3A_74 : memref<1x96x64xf32, #tpu.memory_space<vmem>> -> memref<96x64xf32, #tpu.memory_space<vmem>>
    %dma_start3A_76 = arith.constant 104 : i32
    %dma_start3A_77 = tpu.memref_slice %arg5[%dma_start3A_69, %dma_start3A_70, %dma_start3A_76] : memref<2x4x200xi32, #tpu.memory_space<vmem>> -> memref<1x1x96xi32, #tpu.memory_space<vmem>>
    %dma_start3A_78 = tpu.memref_squeeze %dma_start3A_77 : memref<1x1x96xi32, #tpu.memory_space<vmem>> -> memref<96xi32, #tpu.memory_space<vmem>>
    %dma_start3A_79 = arith.constant 0 : i32
    %dma_start3A_80 = arith.constant 0 : i32
    %dma_start3A_81 = tpu.memref_slice %arg3[%dma_start3A_79, %dma_start3A_80] : memref<1000000x64xf32, #tpu.memory_space<hbm>> -> memref<1000000x64xf32, #tpu.memory_space<hbm>>
    tpu.enqueue_indirect_dma source(%dma_start3A_81 : memref<1000000x64xf32, #tpu.memory_space<hbm>>) target(%dma_start3A_75 : memref<96x64xf32, #tpu.memory_space<vmem>>) offsets(%dma_start3A_78 : memref<96xi32, #tpu.memory_space<vmem>>) semaphore(%arg8 : memref<!tpu.dma_semaphore, #tpu.memory_space<semaphore_mem>>)
    %dma_start3A_82 = arith.constant 0 : i32
    %dma_start3A_83 = arith.constant 3 : i32
    %dma_start3A_84 = arith.constant 3 : i32
    %dma_start3A_85 = arith.constant 0 : i32
    %dma_start3A_86 = arith.constant 0 : i32
    %dma_start3A_87 = tpu.memref_slice %arg6[%dma_start3A_84, %dma_start3A_85, %dma_start3A_86] : memref<4x200x64xf32, #tpu.memory_space<vmem>> -> memref<1x104x64xf32, #tpu.memory_space<vmem>>
    %dma_start3A_88 = tpu.memref_squeeze %dma_start3A_87 : memref<1x104x64xf32, #tpu.memory_space<vmem>> -> memref<104x64xf32, #tpu.memory_space<vmem>>
    %dma_start3A_89 = arith.constant 0 : i32
    %dma_start3A_90 = tpu.memref_slice %arg5[%dma_start3A_82, %dma_start3A_83, %dma_start3A_89] : memref<2x4x200xi32, #tpu.memory_space<vmem>> -> memref<1x1x104xi32, #tpu.memory_space<vmem>>
    %dma_start3A_91 = tpu.memref_squeeze %dma_start3A_90 : memref<1x1x104xi32, #tpu.memory_space<vmem>> -> memref<104xi32, #tpu.memory_space<vmem>>
    %dma_start3A_92 = arith.constant 0 : i32
    %dma_start3A_93 = arith.constant 0 : i32
    %dma_start3A_94 = tpu.memref_slice %arg3[%dma_start3A_92, %dma_start3A_93] : memref<1000000x64xf32, #tpu.memory_space<hbm>> -> memref<1000000x64xf32, #tpu.memory_space<hbm>>
    tpu.enqueue_indirect_dma source(%dma_start3A_94 : memref<1000000x64xf32, #tpu.memory_space<hbm>>) target(%dma_start3A_88 : memref<104x64xf32, #tpu.memory_space<vmem>>) offsets(%dma_start3A_91 : memref<104xi32, #tpu.memory_space<vmem>>) semaphore(%arg8 : memref<!tpu.dma_semaphore, #tpu.memory_space<semaphore_mem>>)
    %dma_start3A_95 = arith.constant 0 : i32
    %dma_start3A_96 = arith.constant 3 : i32
    %dma_start3A_97 = arith.constant 3 : i32
    %dma_start3A_98 = arith.constant 104 : i32
    %dma_start3A_99 = arith.constant 0 : i32
    %dma_start3A_100 = tpu.memref_slice %arg6[%dma_start3A_97, %dma_start3A_98, %dma_start3A_99] : memref<4x200x64xf32, #tpu.memory_space<vmem>> -> memref<1x96x64xf32, #tpu.memory_space<vmem>>
    %dma_start3A_101 = tpu.memref_squeeze %dma_start3A_100 : memref<1x96x64xf32, #tpu.memory_space<vmem>> -> memref<96x64xf32, #tpu.memory_space<vmem>>
    %dma_start3A_102 = arith.constant 104 : i32
    %dma_start3A_103 = tpu.memref_slice %arg5[%dma_start3A_95, %dma_start3A_96, %dma_start3A_102] : memref<2x4x200xi32, #tpu.memory_space<vmem>> -> memref<1x1x96xi32, #tpu.memory_space<vmem>>
    %dma_start3A_104 = tpu.memref_squeeze %dma_start3A_103 : memref<1x1x96xi32, #tpu.memory_space<vmem>> -> memref<96xi32, #tpu.memory_space<vmem>>
    %dma_start3A_105 = arith.constant 0 : i32
    %dma_start3A_106 = arith.constant 0 : i32
    %dma_start3A_107 = tpu.memref_slice %arg3[%dma_start3A_105, %dma_start3A_106] : memref<1000000x64xf32, #tpu.memory_space<hbm>> -> memref<1000000x64xf32, #tpu.memory_space<hbm>>
    tpu.enqueue_indirect_dma source(%dma_start3A_107 : memref<1000000x64xf32, #tpu.memory_space<hbm>>) target(%dma_start3A_101 : memref<96x64xf32, #tpu.memory_space<vmem>>) offsets(%dma_start3A_104 : memref<96xi32, #tpu.memory_space<vmem>>) semaphore(%arg8 : memref<!tpu.dma_semaphore, #tpu.memory_space<semaphore_mem>>)
    %scan3A = arith.constant 0 : i32
    %scan3A_108 = arith.constant 0 : i32
    %scan3A_109 = arith.constant 16 : i32
    %scan3A_110 = arith.addi %scan3A_108, %scan3A_109 : i32
    %scan3A_111 = arith.constant 1 : i32
    scf.for %scan3A_120 = %scan3A_108 to %scan3A_110 step %scan3A_111  : i32 {
      %mul3A_121 = arith.constant 2 : i32
      %mul3A_122 = arith.muli %mul3A_121, %scan3A_120 : i32
      %gt3A = arith.constant 0 : i32
      %gt3A_123 = arith.cmpi sgt, %scan3A_120, %gt3A : i32
      %convert_element_type3A = arith.extui %gt3A_123 : i1 to i32
      %cond3A = arith.constant 0 : i32
      %cond3A_124 = arith.cmpi ne, %convert_element_type3A, %cond3A : i32
      scf.if %cond3A_124 {
        %dma_wait3A_283 = arith.constant 0 : i32
        %dma_wait3A_284 = arith.constant 0 : i32
        %dma_wait3A_285 = arith.constant 0 : i32
        %dma_wait3A_286 = tpu.memref_slice %arg4[%dma_wait3A_283, %dma_wait3A_284, %dma_wait3A_285] : memref<4096x200x64xf32, #tpu.memory_space<hbm>> -> memref<4x200x64xf32, #tpu.memory_space<hbm>>
        %dma_wait3A_287 = arith.constant 0 : i32
        %dma_wait3A_288 = arith.constant 0 : i32
        %dma_wait3A_289 = arith.constant 0 : i32
        %dma_wait3A_290 = tpu.memref_slice %arg4[%dma_wait3A_287, %dma_wait3A_288, %dma_wait3A_289] : memref<4096x200x64xf32, #tpu.memory_space<hbm>> -> memref<4x200x64xf32, #tpu.memory_space<hbm>>
        tpu.wait_dma2 semaphore(%arg11 : memref<!tpu.dma_semaphore, #tpu.memory_space<semaphore_mem>>) src(%arg7 : memref<4x200x64xf32, #tpu.memory_space<vmem>>) dst(%dma_wait3A_290 : memref<4x200x64xf32, #tpu.memory_space<hbm>>)
      } else {
      }
      %add3A_125 = arith.constant 1 : i32
      %add3A_126 = arith.addi %mul3A_122, %add3A_125 : i32
      %mul3A_127 = arith.constant 4 : i32
      %mul3A_128 = arith.muli %add3A_126, %mul3A_127 : i32
      %add3A_129 = arith.addi %mul3A_2, %mul3A_128 : i32
      %run_scoped3A_130 = arith.constant 1 : i32
      "tpu.region"() ({
        %run_scoped3A_283 = tpu.sem_alloc : memref<!tpu.dma_semaphore, #tpu.memory_space<semaphore_mem>>
        %dma_start3A_284 = arith.constant 0 : i32
        %dma_start3A_285 = arith.constant 0 : i32
        %dma_start3A_286 = tpu.memref_slice %arg5[%run_scoped3A_130, %dma_start3A_284, %dma_start3A_285] : memref<2x4x200xi32, #tpu.memory_space<vmem>> -> memref<1x4x200xi32, #tpu.memory_space<vmem>>
        %dma_start3A_287 = tpu.memref_squeeze %dma_start3A_286 : memref<1x4x200xi32, #tpu.memory_space<vmem>> -> memref<4x200xi32, #tpu.memory_space<vmem>>
        %dma_start3A_288 = arith.constant 0 : i32
        %dma_start3A_289 = tpu.memref_slice %arg2[%add3A_129, %dma_start3A_288] : memref<4096x200xi32, #tpu.memory_space<hbm>> -> memref<4x200xi32, #tpu.memory_space<hbm>>
        %dma_start3A_290 = arith.constant 0 : i32
        %dma_start3A_291 = arith.constant 0 : i32
        %dma_start3A_292 = tpu.memref_slice %arg5[%run_scoped3A_130, %dma_start3A_290, %dma_start3A_291] : memref<2x4x200xi32, #tpu.memory_space<vmem>> -> memref<1x4x200xi32, #tpu.memory_space<vmem>>
        %dma_start3A_293 = tpu.memref_squeeze %dma_start3A_292 : memref<1x4x200xi32, #tpu.memory_space<vmem>> -> memref<4x200xi32, #tpu.memory_space<vmem>>
        %dma_start3A_294 = arith.constant 0 : i32
        %dma_start3A_295 = tpu.memref_slice %arg2[%add3A_129, %dma_start3A_294] : memref<4096x200xi32, #tpu.memory_space<hbm>> -> memref<4x200xi32, #tpu.memory_space<hbm>>
        tpu.enqueue_dma source(%dma_start3A_295 : memref<4x200xi32, #tpu.memory_space<hbm>>) target(%dma_start3A_293 : memref<4x200xi32, #tpu.memory_space<vmem>>) target_semaphore(%run_scoped3A_283 : memref<!tpu.dma_semaphore, #tpu.memory_space<semaphore_mem>>)
        %dma_wait3A_296 = arith.constant 0 : i32
        %dma_wait3A_297 = arith.constant 0 : i32
        %dma_wait3A_298 = tpu.memref_slice %arg5[%run_scoped3A_130, %dma_wait3A_296, %dma_wait3A_297] : memref<2x4x200xi32, #tpu.memory_space<vmem>> -> memref<1x4x200xi32, #tpu.memory_space<vmem>>
        %dma_wait3A_299 = tpu.memref_squeeze %dma_wait3A_298 : memref<1x4x200xi32, #tpu.memory_space<vmem>> -> memref<4x200xi32, #tpu.memory_space<vmem>>
        %dma_wait3A_300 = arith.constant 0 : i32
        %dma_wait3A_301 = tpu.memref_slice %arg2[%add3A_129, %dma_wait3A_300] : memref<4096x200xi32, #tpu.memory_space<hbm>> -> memref<4x200xi32, #tpu.memory_space<hbm>>
        %dma_wait3A_302 = arith.constant 0 : i32
        %dma_wait3A_303 = arith.constant 0 : i32
        %dma_wait3A_304 = tpu.memref_slice %arg5[%run_scoped3A_130, %dma_wait3A_302, %dma_wait3A_303] : memref<2x4x200xi32, #tpu.memory_space<vmem>> -> memref<1x4x200xi32, #tpu.memory_space<vmem>>
        %dma_wait3A_305 = tpu.memref_squeeze %dma_wait3A_304 : memref<1x4x200xi32, #tpu.memory_space<vmem>> -> memref<4x200xi32, #tpu.memory_space<vmem>>
        %dma_wait3A_306 = arith.constant 0 : i32
        %dma_wait3A_307 = tpu.memref_slice %arg2[%add3A_129, %dma_wait3A_306] : memref<4096x200xi32, #tpu.memory_space<hbm>> -> memref<4x200xi32, #tpu.memory_space<hbm>>
        tpu.wait_dma2 semaphore(%run_scoped3A_283 : memref<!tpu.dma_semaphore, #tpu.memory_space<semaphore_mem>>) src(%dma_wait3A_307 : memref<4x200xi32, #tpu.memory_space<hbm>>) dst(%dma_wait3A_305 : memref<4x200xi32, #tpu.memory_space<vmem>>)
        tpu.yield
      }) : () -> ()
      %dma_start3A_131 = arith.constant 1 : i32
      %dma_start3A_132 = arith.constant 0 : i32
      %dma_start3A_133 = arith.constant 0 : i32
      %dma_start3A_134 = arith.constant 0 : i32
      %dma_start3A_135 = arith.constant 0 : i32
      %dma_start3A_136 = tpu.memref_slice %arg7[%dma_start3A_133, %dma_start3A_134, %dma_start3A_135] : memref<4x200x64xf32, #tpu.memory_space<vmem>> -> memref<1x104x64xf32, #tpu.memory_space<vmem>>
      %dma_start3A_137 = tpu.memref_squeeze %dma_start3A_136 : memref<1x104x64xf32, #tpu.memory_space<vmem>> -> memref<104x64xf32, #tpu.memory_space<vmem>>
      %dma_start3A_138 = arith.constant 0 : i32
      %dma_start3A_139 = tpu.memref_slice %arg5[%dma_start3A_131, %dma_start3A_132, %dma_start3A_138] : memref<2x4x200xi32, #tpu.memory_space<vmem>> -> memref<1x1x104xi32, #tpu.memory_space<vmem>>
      %dma_start3A_140 = tpu.memref_squeeze %dma_start3A_139 : memref<1x1x104xi32, #tpu.memory_space<vmem>> -> memref<104xi32, #tpu.memory_space<vmem>>
      %dma_start3A_141 = arith.constant 0 : i32
      %dma_start3A_142 = arith.constant 0 : i32
      %dma_start3A_143 = tpu.memref_slice %arg3[%dma_start3A_141, %dma_start3A_142] : memref<1000000x64xf32, #tpu.memory_space<hbm>> -> memref<1000000x64xf32, #tpu.memory_space<hbm>>
      tpu.enqueue_indirect_dma source(%dma_start3A_143 : memref<1000000x64xf32, #tpu.memory_space<hbm>>) target(%dma_start3A_137 : memref<104x64xf32, #tpu.memory_space<vmem>>) offsets(%dma_start3A_140 : memref<104xi32, #tpu.memory_space<vmem>>) semaphore(%arg9 : memref<!tpu.dma_semaphore, #tpu.memory_space<semaphore_mem>>)
      %dma_start3A_144 = arith.constant 1 : i32
      %dma_start3A_145 = arith.constant 0 : i32
      %dma_start3A_146 = arith.constant 0 : i32
      %dma_start3A_147 = arith.constant 104 : i32
      %dma_start3A_148 = arith.constant 0 : i32
      %dma_start3A_149 = tpu.memref_slice %arg7[%dma_start3A_146, %dma_start3A_147, %dma_start3A_148] : memref<4x200x64xf32, #tpu.memory_space<vmem>> -> memref<1x96x64xf32, #tpu.memory_space<vmem>>
      %dma_start3A_150 = tpu.memref_squeeze %dma_start3A_149 : memref<1x96x64xf32, #tpu.memory_space<vmem>> -> memref<96x64xf32, #tpu.memory_space<vmem>>
      %dma_start3A_151 = arith.constant 104 : i32
      %dma_start3A_152 = tpu.memref_slice %arg5[%dma_start3A_144, %dma_start3A_145, %dma_start3A_151] : memref<2x4x200xi32, #tpu.memory_space<vmem>> -> memref<1x1x96xi32, #tpu.memory_space<vmem>>
      %dma_start3A_153 = tpu.memref_squeeze %dma_start3A_152 : memref<1x1x96xi32, #tpu.memory_space<vmem>> -> memref<96xi32, #tpu.memory_space<vmem>>
      %dma_start3A_154 = arith.constant 0 : i32
      %dma_start3A_155 = arith.constant 0 : i32
      %dma_start3A_156 = tpu.memref_slice %arg3[%dma_start3A_154, %dma_start3A_155] : memref<1000000x64xf32, #tpu.memory_space<hbm>> -> memref<1000000x64xf32, #tpu.memory_space<hbm>>
      tpu.enqueue_indirect_dma source(%dma_start3A_156 : memref<1000000x64xf32, #tpu.memory_space<hbm>>) target(%dma_start3A_150 : memref<96x64xf32, #tpu.memory_space<vmem>>) offsets(%dma_start3A_153 : memref<96xi32, #tpu.memory_space<vmem>>) semaphore(%arg9 : memref<!tpu.dma_semaphore, #tpu.memory_space<semaphore_mem>>)
      %dma_start3A_157 = arith.constant 1 : i32
      %dma_start3A_158 = arith.constant 1 : i32
      %dma_start3A_159 = arith.constant 1 : i32
      %dma_start3A_160 = arith.constant 0 : i32
      %dma_start3A_161 = arith.constant 0 : i32
      %dma_start3A_162 = tpu.memref_slice %arg7[%dma_start3A_159, %dma_start3A_160, %dma_start3A_161] : memref<4x200x64xf32, #tpu.memory_space<vmem>> -> memref<1x104x64xf32, #tpu.memory_space<vmem>>
      %dma_start3A_163 = tpu.memref_squeeze %dma_start3A_162 : memref<1x104x64xf32, #tpu.memory_space<vmem>> -> memref<104x64xf32, #tpu.memory_space<vmem>>
      %dma_start3A_164 = arith.constant 0 : i32
      %dma_start3A_165 = tpu.memref_slice %arg5[%dma_start3A_157, %dma_start3A_158, %dma_start3A_164] : memref<2x4x200xi32, #tpu.memory_space<vmem>> -> memref<1x1x104xi32, #tpu.memory_space<vmem>>
      %dma_start3A_166 = tpu.memref_squeeze %dma_start3A_165 : memref<1x1x104xi32, #tpu.memory_space<vmem>> -> memref<104xi32, #tpu.memory_space<vmem>>
      %dma_start3A_167 = arith.constant 0 : i32
      %dma_start3A_168 = arith.constant 0 : i32
      %dma_start3A_169 = tpu.memref_slice %arg3[%dma_start3A_167, %dma_start3A_168] : memref<1000000x64xf32, #tpu.memory_space<hbm>> -> memref<1000000x64xf32, #tpu.memory_space<hbm>>
      tpu.enqueue_indirect_dma source(%dma_start3A_169 : memref<1000000x64xf32, #tpu.memory_space<hbm>>) target(%dma_start3A_163 : memref<104x64xf32, #tpu.memory_space<vmem>>) offsets(%dma_start3A_166 : memref<104xi32, #tpu.memory_space<vmem>>) semaphore(%arg9 : memref<!tpu.dma_semaphore, #tpu.memory_space<semaphore_mem>>)
      %dma_start3A_170 = arith.constant 1 : i32
      %dma_start3A_171 = arith.constant 1 : i32
      %dma_start3A_172 = arith.constant 1 : i32
      %dma_start3A_173 = arith.constant 104 : i32
      %dma_start3A_174 = arith.constant 0 : i32
      %dma_start3A_175 = tpu.memref_slice %arg7[%dma_start3A_172, %dma_start3A_173, %dma_start3A_174] : memref<4x200x64xf32, #tpu.memory_space<vmem>> -> memref<1x96x64xf32, #tpu.memory_space<vmem>>
      %dma_start3A_176 = tpu.memref_squeeze %dma_start3A_175 : memref<1x96x64xf32, #tpu.memory_space<vmem>> -> memref<96x64xf32, #tpu.memory_space<vmem>>
      %dma_start3A_177 = arith.constant 104 : i32
      %dma_start3A_178 = tpu.memref_slice %arg5[%dma_start3A_170, %dma_start3A_171, %dma_start3A_177] : memref<2x4x200xi32, #tpu.memory_space<vmem>> -> memref<1x1x96xi32, #tpu.memory_space<vmem>>
      %dma_start3A_179 = tpu.memref_squeeze %dma_start3A_178 : memref<1x1x96xi32, #tpu.memory_space<vmem>> -> memref<96xi32, #tpu.memory_space<vmem>>
      %dma_start3A_180 = arith.constant 0 : i32
      %dma_start3A_181 = arith.constant 0 : i32
      %dma_start3A_182 = tpu.memref_slice %arg3[%dma_start3A_180, %dma_start3A_181] : memref<1000000x64xf32, #tpu.memory_space<hbm>> -> memref<1000000x64xf32, #tpu.memory_space<hbm>>
      tpu.enqueue_indirect_dma source(%dma_start3A_182 : memref<1000000x64xf32, #tpu.memory_space<hbm>>) target(%dma_start3A_176 : memref<96x64xf32, #tpu.memory_space<vmem>>) offsets(%dma_start3A_179 : memref<96xi32, #tpu.memory_space<vmem>>) semaphore(%arg9 : memref<!tpu.dma_semaphore, #tpu.memory_space<semaphore_mem>>)
      %dma_start3A_183 = arith.constant 1 : i32
      %dma_start3A_184 = arith.constant 2 : i32
      %dma_start3A_185 = arith.constant 2 : i32
      %dma_start3A_186 = arith.constant 0 : i32
      %dma_start3A_187 = arith.constant 0 : i32
      %dma_start3A_188 = tpu.memref_slice %arg7[%dma_start3A_185, %dma_start3A_186, %dma_start3A_187] : memref<4x200x64xf32, #tpu.memory_space<vmem>> -> memref<1x104x64xf32, #tpu.memory_space<vmem>>
      %dma_start3A_189 = tpu.memref_squeeze %dma_start3A_188 : memref<1x104x64xf32, #tpu.memory_space<vmem>> -> memref<104x64xf32, #tpu.memory_space<vmem>>
      %dma_start3A_190 = arith.constant 0 : i32
      %dma_start3A_191 = tpu.memref_slice %arg5[%dma_start3A_183, %dma_start3A_184, %dma_start3A_190] : memref<2x4x200xi32, #tpu.memory_space<vmem>> -> memref<1x1x104xi32, #tpu.memory_space<vmem>>
      %dma_start3A_192 = tpu.memref_squeeze %dma_start3A_191 : memref<1x1x104xi32, #tpu.memory_space<vmem>> -> memref<104xi32, #tpu.memory_space<vmem>>
      %dma_start3A_193 = arith.constant 0 : i32
      %dma_start3A_194 = arith.constant 0 : i32
      %dma_start3A_195 = tpu.memref_slice %arg3[%dma_start3A_193, %dma_start3A_194] : memref<1000000x64xf32, #tpu.memory_space<hbm>> -> memref<1000000x64xf32, #tpu.memory_space<hbm>>
      tpu.enqueue_indirect_dma source(%dma_start3A_195 : memref<1000000x64xf32, #tpu.memory_space<hbm>>) target(%dma_start3A_189 : memref<104x64xf32, #tpu.memory_space<vmem>>) offsets(%dma_start3A_192 : memref<104xi32, #tpu.memory_space<vmem>>) semaphore(%arg9 : memref<!tpu.dma_semaphore, #tpu.memory_space<semaphore_mem>>)
      %dma_start3A_196 = arith.constant 1 : i32
      %dma_start3A_197 = arith.constant 2 : i32
      %dma_start3A_198 = arith.constant 2 : i32
      %dma_start3A_199 = arith.constant 104 : i32
      %dma_start3A_200 = arith.constant 0 : i32
      %dma_start3A_201 = tpu.memref_slice %arg7[%dma_start3A_198, %dma_start3A_199, %dma_start3A_200] : memref<4x200x64xf32, #tpu.memory_space<vmem>> -> memref<1x96x64xf32, #tpu.memory_space<vmem>>
      %dma_start3A_202 = tpu.memref_squeeze %dma_start3A_201 : memref<1x96x64xf32, #tpu.memory_space<vmem>> -> memref<96x64xf32, #tpu.memory_space<vmem>>
      %dma_start3A_203 = arith.constant 104 : i32
      %dma_start3A_204 = tpu.memref_slice %arg5[%dma_start3A_196, %dma_start3A_197, %dma_start3A_203] : memref<2x4x200xi32, #tpu.memory_space<vmem>> -> memref<1x1x96xi32, #tpu.memory_space<vmem>>
      %dma_start3A_205 = tpu.memref_squeeze %dma_start3A_204 : memref<1x1x96xi32, #tpu.memory_space<vmem>> -> memref<96xi32, #tpu.memory_space<vmem>>
      %dma_start3A_206 = arith.constant 0 : i32
      %dma_start3A_207 = arith.constant 0 : i32
      %dma_start3A_208 = tpu.memref_slice %arg3[%dma_start3A_206, %dma_start3A_207] : memref<1000000x64xf32, #tpu.memory_space<hbm>> -> memref<1000000x64xf32, #tpu.memory_space<hbm>>
      tpu.enqueue_indirect_dma source(%dma_start3A_208 : memref<1000000x64xf32, #tpu.memory_space<hbm>>) target(%dma_start3A_202 : memref<96x64xf32, #tpu.memory_space<vmem>>) offsets(%dma_start3A_205 : memref<96xi32, #tpu.memory_space<vmem>>) semaphore(%arg9 : memref<!tpu.dma_semaphore, #tpu.memory_space<semaphore_mem>>)
      %dma_start3A_209 = arith.constant 1 : i32
      %dma_start3A_210 = arith.constant 3 : i32
      %dma_start3A_211 = arith.constant 3 : i32
      %dma_start3A_212 = arith.constant 0 : i32
      %dma_start3A_213 = arith.constant 0 : i32
      %dma_start3A_214 = tpu.memref_slice %arg7[%dma_start3A_211, %dma_start3A_212, %dma_start3A_213] : memref<4x200x64xf32, #tpu.memory_space<vmem>> -> memref<1x104x64xf32, #tpu.memory_space<vmem>>
      %dma_start3A_215 = tpu.memref_squeeze %dma_start3A_214 : memref<1x104x64xf32, #tpu.memory_space<vmem>> -> memref<104x64xf32, #tpu.memory_space<vmem>>
      %dma_start3A_216 = arith.constant 0 : i32
      %dma_start3A_217 = tpu.memref_slice %arg5[%dma_start3A_209, %dma_start3A_210, %dma_start3A_216] : memref<2x4x200xi32, #tpu.memory_space<vmem>> -> memref<1x1x104xi32, #tpu.memory_space<vmem>>
      %dma_start3A_218 = tpu.memref_squeeze %dma_start3A_217 : memref<1x1x104xi32, #tpu.memory_space<vmem>> -> memref<104xi32, #tpu.memory_space<vmem>>
      %dma_start3A_219 = arith.constant 0 : i32
      %dma_start3A_220 = arith.constant 0 : i32
      %dma_start3A_221 = tpu.memref_slice %arg3[%dma_start3A_219, %dma_start3A_220] : memref<1000000x64xf32, #tpu.memory_space<hbm>> -> memref<1000000x64xf32, #tpu.memory_space<hbm>>
      tpu.enqueue_indirect_dma source(%dma_start3A_221 : memref<1000000x64xf32, #tpu.memory_space<hbm>>) target(%dma_start3A_215 : memref<104x64xf32, #tpu.memory_space<vmem>>) offsets(%dma_start3A_218 : memref<104xi32, #tpu.memory_space<vmem>>) semaphore(%arg9 : memref<!tpu.dma_semaphore, #tpu.memory_space<semaphore_mem>>)
      %dma_start3A_222 = arith.constant 1 : i32
      %dma_start3A_223 = arith.constant 3 : i32
      %dma_start3A_224 = arith.constant 3 : i32
      %dma_start3A_225 = arith.constant 104 : i32
      %dma_start3A_226 = arith.constant 0 : i32
      %dma_start3A_227 = tpu.memref_slice %arg7[%dma_start3A_224, %dma_start3A_225, %dma_start3A_226] : memref<4x200x64xf32, #tpu.memory_space<vmem>> -> memref<1x96x64xf32, #tpu.memory_space<vmem>>
      %dma_start3A_228 = tpu.memref_squeeze %dma_start3A_227 : memref<1x96x64xf32, #tpu.memory_space<vmem>> -> memref<96x64xf32, #tpu.memory_space<vmem>>
      %dma_start3A_229 = arith.constant 104 : i32
      %dma_start3A_230 = tpu.memref_slice %arg5[%dma_start3A_222, %dma_start3A_223, %dma_start3A_229] : memref<2x4x200xi32, #tpu.memory_space<vmem>> -> memref<1x1x96xi32, #tpu.memory_space<vmem>>
      %dma_start3A_231 = tpu.memref_squeeze %dma_start3A_230 : memref<1x1x96xi32, #tpu.memory_space<vmem>> -> memref<96xi32, #tpu.memory_space<vmem>>
      %dma_start3A_232 = arith.constant 0 : i32
      %dma_start3A_233 = arith.constant 0 : i32
      %dma_start3A_234 = tpu.memref_slice %arg3[%dma_start3A_232, %dma_start3A_233] : memref<1000000x64xf32, #tpu.memory_space<hbm>> -> memref<1000000x64xf32, #tpu.memory_space<hbm>>
      tpu.enqueue_indirect_dma source(%dma_start3A_234 : memref<1000000x64xf32, #tpu.memory_space<hbm>>) target(%dma_start3A_228 : memref<96x64xf32, #tpu.memory_space<vmem>>) offsets(%dma_start3A_231 : memref<96xi32, #tpu.memory_space<vmem>>) semaphore(%arg9 : memref<!tpu.dma_semaphore, #tpu.memory_space<semaphore_mem>>)
      %dma_wait3A_235 = arith.constant 0 : i32
      %dma_wait3A_236 = arith.constant 0 : i32
      %dma_wait3A_237 = arith.constant 0 : i32
      %dma_wait3A_238 = tpu.memref_slice %arg4[%dma_wait3A_235, %dma_wait3A_236, %dma_wait3A_237] : memref<4096x200x64xf32, #tpu.memory_space<hbm>> -> memref<4x200x64xf32, #tpu.memory_space<hbm>>
      %dma_wait3A_239 = arith.constant 0 : i32
      %dma_wait3A_240 = arith.constant 0 : i32
      %dma_wait3A_241 = arith.constant 0 : i32
      %dma_wait3A_242 = tpu.memref_slice %arg4[%dma_wait3A_239, %dma_wait3A_240, %dma_wait3A_241] : memref<4096x200x64xf32, #tpu.memory_space<hbm>> -> memref<4x200x64xf32, #tpu.memory_space<hbm>>
      tpu.wait_dma2 semaphore(%arg8 : memref<!tpu.dma_semaphore, #tpu.memory_space<semaphore_mem>>) src(%dma_wait3A_242 : memref<4x200x64xf32, #tpu.memory_space<hbm>>) dst(%arg6 : memref<4x200x64xf32, #tpu.memory_space<vmem>>)
      %mul3A_243 = arith.constant 4 : i32
      %mul3A_244 = arith.muli %mul3A_122, %mul3A_243 : i32
      %add3A_245 = arith.addi %mul3A_2, %mul3A_244 : i32
      %dma_start3A_246 = arith.constant 0 : i32
      %dma_start3A_247 = arith.constant 0 : i32
      %dma_start3A_248 = tpu.memref_slice %arg4[%add3A_245, %dma_start3A_246, %dma_start3A_247] : memref<4096x200x64xf32, #tpu.memory_space<hbm>> -> memref<4x200x64xf32, #tpu.memory_space<hbm>>
      %dma_start3A_249 = arith.constant 0 : i32
      %dma_start3A_250 = arith.constant 0 : i32
      %dma_start3A_251 = tpu.memref_slice %arg4[%add3A_245, %dma_start3A_249, %dma_start3A_250] : memref<4096x200x64xf32, #tpu.memory_space<hbm>> -> memref<4x200x64xf32, #tpu.memory_space<hbm>>
      tpu.enqueue_dma source(%arg6 : memref<4x200x64xf32, #tpu.memory_space<vmem>>) target(%dma_start3A_251 : memref<4x200x64xf32, #tpu.memory_space<hbm>>) target_semaphore(%arg10 : memref<!tpu.dma_semaphore, #tpu.memory_space<semaphore_mem>>)
      %dma_wait3A_252 = arith.constant 0 : i32
      %dma_wait3A_253 = arith.constant 0 : i32
      %dma_wait3A_254 = arith.constant 0 : i32
      %dma_wait3A_255 = tpu.memref_slice %arg4[%dma_wait3A_252, %dma_wait3A_253, %dma_wait3A_254] : memref<4096x200x64xf32, #tpu.memory_space<hbm>> -> memref<4x200x64xf32, #tpu.memory_space<hbm>>
      %dma_wait3A_256 = arith.constant 0 : i32
      %dma_wait3A_257 = arith.constant 0 : i32
      %dma_wait3A_258 = arith.constant 0 : i32
      %dma_wait3A_259 = tpu.memref_slice %arg4[%dma_wait3A_256, %dma_wait3A_257, %dma_wait3A_258] : memref<4096x200x64xf32, #tpu.memory_space<hbm>> -> memref<4x200x64xf32, #tpu.memory_space<hbm>>
      tpu.wait_dma2 semaphore(%arg10 : memref<!tpu.dma_semaphore, #tpu.memory_space<semaphore_mem>>) src(%arg6 : memref<4x200x64xf32, #tpu.memory_space<vmem>>) dst(%dma_wait3A_259 : memref<4x200x64xf32, #tpu.memory_space<hbm>>)
      %lt3A = arith.constant 15 : i32
      %lt3A_260 = arith.cmpi slt, %scan3A_120, %lt3A : i32
      %convert_element_type3A_261 = arith.extui %lt3A_260 : i1 to i32
      %cond3A_262 = arith.constant 0 : i32
      %cond3A_263 = arith.cmpi ne, %convert_element_type3A_261, %cond3A_262 : i32
      scf.if %cond3A_263 {
        %add3A_283 = arith.constant 2 : i32
        %add3A_284 = arith.addi %mul3A_122, %add3A_283 : i32
        %mul3A_285 = arith.constant 4 : i32
        %mul3A_286 = arith.muli %add3A_284, %mul3A_285 : i32
        %add3A_287 = arith.addi %mul3A_2, %mul3A_286 : i32
        %run_scoped3A_288 = arith.constant 0 : i32
        "tpu.region"() ({
          %run_scoped3A_393 = tpu.sem_alloc : memref<!tpu.dma_semaphore, #tpu.memory_space<semaphore_mem>>
          %dma_start3A_394 = arith.constant 0 : i32
          %dma_start3A_395 = arith.constant 0 : i32
          %dma_start3A_396 = tpu.memref_slice %arg5[%run_scoped3A_288, %dma_start3A_394, %dma_start3A_395] : memref<2x4x200xi32, #tpu.memory_space<vmem>> -> memref<1x4x200xi32, #tpu.memory_space<vmem>>
          %dma_start3A_397 = tpu.memref_squeeze %dma_start3A_396 : memref<1x4x200xi32, #tpu.memory_space<vmem>> -> memref<4x200xi32, #tpu.memory_space<vmem>>
          %dma_start3A_398 = arith.constant 0 : i32
          %dma_start3A_399 = tpu.memref_slice %arg2[%add3A_287, %dma_start3A_398] : memref<4096x200xi32, #tpu.memory_space<hbm>> -> memref<4x200xi32, #tpu.memory_space<hbm>>
          %dma_start3A_400 = arith.constant 0 : i32
          %dma_start3A_401 = arith.constant 0 : i32
          %dma_start3A_402 = tpu.memref_slice %arg5[%run_scoped3A_288, %dma_start3A_400, %dma_start3A_401] : memref<2x4x200xi32, #tpu.memory_space<vmem>> -> memref<1x4x200xi32, #tpu.memory_space<vmem>>
          %dma_start3A_403 = tpu.memref_squeeze %dma_start3A_402 : memref<1x4x200xi32, #tpu.memory_space<vmem>> -> memref<4x200xi32, #tpu.memory_space<vmem>>
          %dma_start3A_404 = arith.constant 0 : i32
          %dma_start3A_405 = tpu.memref_slice %arg2[%add3A_287, %dma_start3A_404] : memref<4096x200xi32, #tpu.memory_space<hbm>> -> memref<4x200xi32, #tpu.memory_space<hbm>>
          tpu.enqueue_dma source(%dma_start3A_405 : memref<4x200xi32, #tpu.memory_space<hbm>>) target(%dma_start3A_403 : memref<4x200xi32, #tpu.memory_space<vmem>>) target_semaphore(%run_scoped3A_393 : memref<!tpu.dma_semaphore, #tpu.memory_space<semaphore_mem>>)
          %dma_wait3A_406 = arith.constant 0 : i32
          %dma_wait3A_407 = arith.constant 0 : i32
          %dma_wait3A_408 = tpu.memref_slice %arg5[%run_scoped3A_288, %dma_wait3A_406, %dma_wait3A_407] : memref<2x4x200xi32, #tpu.memory_space<vmem>> -> memref<1x4x200xi32, #tpu.memory_space<vmem>>
          %dma_wait3A_409 = tpu.memref_squeeze %dma_wait3A_408 : memref<1x4x200xi32, #tpu.memory_space<vmem>> -> memref<4x200xi32, #tpu.memory_space<vmem>>
          %dma_wait3A_410 = arith.constant 0 : i32
          %dma_wait3A_411 = tpu.memref_slice %arg2[%add3A_287, %dma_wait3A_410] : memref<4096x200xi32, #tpu.memory_space<hbm>> -> memref<4x200xi32, #tpu.memory_space<hbm>>
          %dma_wait3A_412 = arith.constant 0 : i32
          %dma_wait3A_413 = arith.constant 0 : i32
          %dma_wait3A_414 = tpu.memref_slice %arg5[%run_scoped3A_288, %dma_wait3A_412, %dma_wait3A_413] : memref<2x4x200xi32, #tpu.memory_space<vmem>> -> memref<1x4x200xi32, #tpu.memory_space<vmem>>
          %dma_wait3A_415 = tpu.memref_squeeze %dma_wait3A_414 : memref<1x4x200xi32, #tpu.memory_space<vmem>> -> memref<4x200xi32, #tpu.memory_space<vmem>>
          %dma_wait3A_416 = arith.constant 0 : i32
          %dma_wait3A_417 = tpu.memref_slice %arg2[%add3A_287, %dma_wait3A_416] : memref<4096x200xi32, #tpu.memory_space<hbm>> -> memref<4x200xi32, #tpu.memory_space<hbm>>
          tpu.wait_dma2 semaphore(%run_scoped3A_393 : memref<!tpu.dma_semaphore, #tpu.memory_space<semaphore_mem>>) src(%dma_wait3A_417 : memref<4x200xi32, #tpu.memory_space<hbm>>) dst(%dma_wait3A_415 : memref<4x200xi32, #tpu.memory_space<vmem>>)
          tpu.yield
        }) : () -> ()
        %dma_start3A_289 = arith.constant 0 : i32
        %dma_start3A_290 = arith.constant 0 : i32
        %dma_start3A_291 = arith.constant 0 : i32
        %dma_start3A_292 = arith.constant 0 : i32
        %dma_start3A_293 = arith.constant 0 : i32
        %dma_start3A_294 = tpu.memref_slice %arg6[%dma_start3A_291, %dma_start3A_292, %dma_start3A_293] : memref<4x200x64xf32, #tpu.memory_space<vmem>> -> memref<1x104x64xf32, #tpu.memory_space<vmem>>
        %dma_start3A_295 = tpu.memref_squeeze %dma_start3A_294 : memref<1x104x64xf32, #tpu.memory_space<vmem>> -> memref<104x64xf32, #tpu.memory_space<vmem>>
        %dma_start3A_296 = arith.constant 0 : i32
        %dma_start3A_297 = tpu.memref_slice %arg5[%dma_start3A_289, %dma_start3A_290, %dma_start3A_296] : memref<2x4x200xi32, #tpu.memory_space<vmem>> -> memref<1x1x104xi32, #tpu.memory_space<vmem>>
        %dma_start3A_298 = tpu.memref_squeeze %dma_start3A_297 : memref<1x1x104xi32, #tpu.memory_space<vmem>> -> memref<104xi32, #tpu.memory_space<vmem>>
        %dma_start3A_299 = arith.constant 0 : i32
        %dma_start3A_300 = arith.constant 0 : i32
        %dma_start3A_301 = tpu.memref_slice %arg3[%dma_start3A_299, %dma_start3A_300] : memref<1000000x64xf32, #tpu.memory_space<hbm>> -> memref<1000000x64xf32, #tpu.memory_space<hbm>>
        tpu.enqueue_indirect_dma source(%dma_start3A_301 : memref<1000000x64xf32, #tpu.memory_space<hbm>>) target(%dma_start3A_295 : memref<104x64xf32, #tpu.memory_space<vmem>>) offsets(%dma_start3A_298 : memref<104xi32, #tpu.memory_space<vmem>>) semaphore(%arg8 : memref<!tpu.dma_semaphore, #tpu.memory_space<semaphore_mem>>)
        %dma_start3A_302 = arith.constant 0 : i32
        %dma_start3A_303 = arith.constant 0 : i32
        %dma_start3A_304 = arith.constant 0 : i32
        %dma_start3A_305 = arith.constant 104 : i32
        %dma_start3A_306 = arith.constant 0 : i32
        %dma_start3A_307 = tpu.memref_slice %arg6[%dma_start3A_304, %dma_start3A_305, %dma_start3A_306] : memref<4x200x64xf32, #tpu.memory_space<vmem>> -> memref<1x96x64xf32, #tpu.memory_space<vmem>>
        %dma_start3A_308 = tpu.memref_squeeze %dma_start3A_307 : memref<1x96x64xf32, #tpu.memory_space<vmem>> -> memref<96x64xf32, #tpu.memory_space<vmem>>
        %dma_start3A_309 = arith.constant 104 : i32
        %dma_start3A_310 = tpu.memref_slice %arg5[%dma_start3A_302, %dma_start3A_303, %dma_start3A_309] : memref<2x4x200xi32, #tpu.memory_space<vmem>> -> memref<1x1x96xi32, #tpu.memory_space<vmem>>
        %dma_start3A_311 = tpu.memref_squeeze %dma_start3A_310 : memref<1x1x96xi32, #tpu.memory_space<vmem>> -> memref<96xi32, #tpu.memory_space<vmem>>
        %dma_start3A_312 = arith.constant 0 : i32
        %dma_start3A_313 = arith.constant 0 : i32
        %dma_start3A_314 = tpu.memref_slice %arg3[%dma_start3A_312, %dma_start3A_313] : memref<1000000x64xf32, #tpu.memory_space<hbm>> -> memref<1000000x64xf32, #tpu.memory_space<hbm>>
        tpu.enqueue_indirect_dma source(%dma_start3A_314 : memref<1000000x64xf32, #tpu.memory_space<hbm>>) target(%dma_start3A_308 : memref<96x64xf32, #tpu.memory_space<vmem>>) offsets(%dma_start3A_311 : memref<96xi32, #tpu.memory_space<vmem>>) semaphore(%arg8 : memref<!tpu.dma_semaphore, #tpu.memory_space<semaphore_mem>>)
        %dma_start3A_315 = arith.constant 0 : i32
        %dma_start3A_316 = arith.constant 1 : i32
        %dma_start3A_317 = arith.constant 1 : i32
        %dma_start3A_318 = arith.constant 0 : i32
        %dma_start3A_319 = arith.constant 0 : i32
        %dma_start3A_320 = tpu.memref_slice %arg6[%dma_start3A_317, %dma_start3A_318, %dma_start3A_319] : memref<4x200x64xf32, #tpu.memory_space<vmem>> -> memref<1x104x64xf32, #tpu.memory_space<vmem>>
        %dma_start3A_321 = tpu.memref_squeeze %dma_start3A_320 : memref<1x104x64xf32, #tpu.memory_space<vmem>> -> memref<104x64xf32, #tpu.memory_space<vmem>>
        %dma_start3A_322 = arith.constant 0 : i32
        %dma_start3A_323 = tpu.memref_slice %arg5[%dma_start3A_315, %dma_start3A_316, %dma_start3A_322] : memref<2x4x200xi32, #tpu.memory_space<vmem>> -> memref<1x1x104xi32, #tpu.memory_space<vmem>>
        %dma_start3A_324 = tpu.memref_squeeze %dma_start3A_323 : memref<1x1x104xi32, #tpu.memory_space<vmem>> -> memref<104xi32, #tpu.memory_space<vmem>>
        %dma_start3A_325 = arith.constant 0 : i32
        %dma_start3A_326 = arith.constant 0 : i32
        %dma_start3A_327 = tpu.memref_slice %arg3[%dma_start3A_325, %dma_start3A_326] : memref<1000000x64xf32, #tpu.memory_space<hbm>> -> memref<1000000x64xf32, #tpu.memory_space<hbm>>
        tpu.enqueue_indirect_dma source(%dma_start3A_327 : memref<1000000x64xf32, #tpu.memory_space<hbm>>) target(%dma_start3A_321 : memref<104x64xf32, #tpu.memory_space<vmem>>) offsets(%dma_start3A_324 : memref<104xi32, #tpu.memory_space<vmem>>) semaphore(%arg8 : memref<!tpu.dma_semaphore, #tpu.memory_space<semaphore_mem>>)
        %dma_start3A_328 = arith.constant 0 : i32
        %dma_start3A_329 = arith.constant 1 : i32
        %dma_start3A_330 = arith.constant 1 : i32
        %dma_start3A_331 = arith.constant 104 : i32
        %dma_start3A_332 = arith.constant 0 : i32
        %dma_start3A_333 = tpu.memref_slice %arg6[%dma_start3A_330, %dma_start3A_331, %dma_start3A_332] : memref<4x200x64xf32, #tpu.memory_space<vmem>> -> memref<1x96x64xf32, #tpu.memory_space<vmem>>
        %dma_start3A_334 = tpu.memref_squeeze %dma_start3A_333 : memref<1x96x64xf32, #tpu.memory_space<vmem>> -> memref<96x64xf32, #tpu.memory_space<vmem>>
        %dma_start3A_335 = arith.constant 104 : i32
        %dma_start3A_336 = tpu.memref_slice %arg5[%dma_start3A_328, %dma_start3A_329, %dma_start3A_335] : memref<2x4x200xi32, #tpu.memory_space<vmem>> -> memref<1x1x96xi32, #tpu.memory_space<vmem>>
        %dma_start3A_337 = tpu.memref_squeeze %dma_start3A_336 : memref<1x1x96xi32, #tpu.memory_space<vmem>> -> memref<96xi32, #tpu.memory_space<vmem>>
        %dma_start3A_338 = arith.constant 0 : i32
        %dma_start3A_339 = arith.constant 0 : i32
        %dma_start3A_340 = tpu.memref_slice %arg3[%dma_start3A_338, %dma_start3A_339] : memref<1000000x64xf32, #tpu.memory_space<hbm>> -> memref<1000000x64xf32, #tpu.memory_space<hbm>>
        tpu.enqueue_indirect_dma source(%dma_start3A_340 : memref<1000000x64xf32, #tpu.memory_space<hbm>>) target(%dma_start3A_334 : memref<96x64xf32, #tpu.memory_space<vmem>>) offsets(%dma_start3A_337 : memref<96xi32, #tpu.memory_space<vmem>>) semaphore(%arg8 : memref<!tpu.dma_semaphore, #tpu.memory_space<semaphore_mem>>)
        %dma_start3A_341 = arith.constant 0 : i32
        %dma_start3A_342 = arith.constant 2 : i32
        %dma_start3A_343 = arith.constant 2 : i32
        %dma_start3A_344 = arith.constant 0 : i32
        %dma_start3A_345 = arith.constant 0 : i32
        %dma_start3A_346 = tpu.memref_slice %arg6[%dma_start3A_343, %dma_start3A_344, %dma_start3A_345] : memref<4x200x64xf32, #tpu.memory_space<vmem>> -> memref<1x104x64xf32, #tpu.memory_space<vmem>>
        %dma_start3A_347 = tpu.memref_squeeze %dma_start3A_346 : memref<1x104x64xf32, #tpu.memory_space<vmem>> -> memref<104x64xf32, #tpu.memory_space<vmem>>
        %dma_start3A_348 = arith.constant 0 : i32
        %dma_start3A_349 = tpu.memref_slice %arg5[%dma_start3A_341, %dma_start3A_342, %dma_start3A_348] : memref<2x4x200xi32, #tpu.memory_space<vmem>> -> memref<1x1x104xi32, #tpu.memory_space<vmem>>
        %dma_start3A_350 = tpu.memref_squeeze %dma_start3A_349 : memref<1x1x104xi32, #tpu.memory_space<vmem>> -> memref<104xi32, #tpu.memory_space<vmem>>
        %dma_start3A_351 = arith.constant 0 : i32
        %dma_start3A_352 = arith.constant 0 : i32
        %dma_start3A_353 = tpu.memref_slice %arg3[%dma_start3A_351, %dma_start3A_352] : memref<1000000x64xf32, #tpu.memory_space<hbm>> -> memref<1000000x64xf32, #tpu.memory_space<hbm>>
        tpu.enqueue_indirect_dma source(%dma_start3A_353 : memref<1000000x64xf32, #tpu.memory_space<hbm>>) target(%dma_start3A_347 : memref<104x64xf32, #tpu.memory_space<vmem>>) offsets(%dma_start3A_350 : memref<104xi32, #tpu.memory_space<vmem>>) semaphore(%arg8 : memref<!tpu.dma_semaphore, #tpu.memory_space<semaphore_mem>>)
        %dma_start3A_354 = arith.constant 0 : i32
        %dma_start3A_355 = arith.constant 2 : i32
        %dma_start3A_356 = arith.constant 2 : i32
        %dma_start3A_357 = arith.constant 104 : i32
        %dma_start3A_358 = arith.constant 0 : i32
        %dma_start3A_359 = tpu.memref_slice %arg6[%dma_start3A_356, %dma_start3A_357, %dma_start3A_358] : memref<4x200x64xf32, #tpu.memory_space<vmem>> -> memref<1x96x64xf32, #tpu.memory_space<vmem>>
        %dma_start3A_360 = tpu.memref_squeeze %dma_start3A_359 : memref<1x96x64xf32, #tpu.memory_space<vmem>> -> memref<96x64xf32, #tpu.memory_space<vmem>>
        %dma_start3A_361 = arith.constant 104 : i32
        %dma_start3A_362 = tpu.memref_slice %arg5[%dma_start3A_354, %dma_start3A_355, %dma_start3A_361] : memref<2x4x200xi32, #tpu.memory_space<vmem>> -> memref<1x1x96xi32, #tpu.memory_space<vmem>>
        %dma_start3A_363 = tpu.memref_squeeze %dma_start3A_362 : memref<1x1x96xi32, #tpu.memory_space<vmem>> -> memref<96xi32, #tpu.memory_space<vmem>>
        %dma_start3A_364 = arith.constant 0 : i32
        %dma_start3A_365 = arith.constant 0 : i32
        %dma_start3A_366 = tpu.memref_slice %arg3[%dma_start3A_364, %dma_start3A_365] : memref<1000000x64xf32, #tpu.memory_space<hbm>> -> memref<1000000x64xf32, #tpu.memory_space<hbm>>
        tpu.enqueue_indirect_dma source(%dma_start3A_366 : memref<1000000x64xf32, #tpu.memory_space<hbm>>) target(%dma_start3A_360 : memref<96x64xf32, #tpu.memory_space<vmem>>) offsets(%dma_start3A_363 : memref<96xi32, #tpu.memory_space<vmem>>) semaphore(%arg8 : memref<!tpu.dma_semaphore, #tpu.memory_space<semaphore_mem>>)
        %dma_start3A_367 = arith.constant 0 : i32
        %dma_start3A_368 = arith.constant 3 : i32
        %dma_start3A_369 = arith.constant 3 : i32
        %dma_start3A_370 = arith.constant 0 : i32
        %dma_start3A_371 = arith.constant 0 : i32
        %dma_start3A_372 = tpu.memref_slice %arg6[%dma_start3A_369, %dma_start3A_370, %dma_start3A_371] : memref<4x200x64xf32, #tpu.memory_space<vmem>> -> memref<1x104x64xf32, #tpu.memory_space<vmem>>
        %dma_start3A_373 = tpu.memref_squeeze %dma_start3A_372 : memref<1x104x64xf32, #tpu.memory_space<vmem>> -> memref<104x64xf32, #tpu.memory_space<vmem>>
        %dma_start3A_374 = arith.constant 0 : i32
        %dma_start3A_375 = tpu.memref_slice %arg5[%dma_start3A_367, %dma_start3A_368, %dma_start3A_374] : memref<2x4x200xi32, #tpu.memory_space<vmem>> -> memref<1x1x104xi32, #tpu.memory_space<vmem>>
        %dma_start3A_376 = tpu.memref_squeeze %dma_start3A_375 : memref<1x1x104xi32, #tpu.memory_space<vmem>> -> memref<104xi32, #tpu.memory_space<vmem>>
        %dma_start3A_377 = arith.constant 0 : i32
        %dma_start3A_378 = arith.constant 0 : i32
        %dma_start3A_379 = tpu.memref_slice %arg3[%dma_start3A_377, %dma_start3A_378] : memref<1000000x64xf32, #tpu.memory_space<hbm>> -> memref<1000000x64xf32, #tpu.memory_space<hbm>>
        tpu.enqueue_indirect_dma source(%dma_start3A_379 : memref<1000000x64xf32, #tpu.memory_space<hbm>>) target(%dma_start3A_373 : memref<104x64xf32, #tpu.memory_space<vmem>>) offsets(%dma_start3A_376 : memref<104xi32, #tpu.memory_space<vmem>>) semaphore(%arg8 : memref<!tpu.dma_semaphore, #tpu.memory_space<semaphore_mem>>)
        %dma_start3A_380 = arith.constant 0 : i32
        %dma_start3A_381 = arith.constant 3 : i32
        %dma_start3A_382 = arith.constant 3 : i32
        %dma_start3A_383 = arith.constant 104 : i32
        %dma_start3A_384 = arith.constant 0 : i32
        %dma_start3A_385 = tpu.memref_slice %arg6[%dma_start3A_382, %dma_start3A_383, %dma_start3A_384] : memref<4x200x64xf32, #tpu.memory_space<vmem>> -> memref<1x96x64xf32, #tpu.memory_space<vmem>>
        %dma_start3A_386 = tpu.memref_squeeze %dma_start3A_385 : memref<1x96x64xf32, #tpu.memory_space<vmem>> -> memref<96x64xf32, #tpu.memory_space<vmem>>
        %dma_start3A_387 = arith.constant 104 : i32
        %dma_start3A_388 = tpu.memref_slice %arg5[%dma_start3A_380, %dma_start3A_381, %dma_start3A_387] : memref<2x4x200xi32, #tpu.memory_space<vmem>> -> memref<1x1x96xi32, #tpu.memory_space<vmem>>
        %dma_start3A_389 = tpu.memref_squeeze %dma_start3A_388 : memref<1x1x96xi32, #tpu.memory_space<vmem>> -> memref<96xi32, #tpu.memory_space<vmem>>
        %dma_start3A_390 = arith.constant 0 : i32
        %dma_start3A_391 = arith.constant 0 : i32
        %dma_start3A_392 = tpu.memref_slice %arg3[%dma_start3A_390, %dma_start3A_391] : memref<1000000x64xf32, #tpu.memory_space<hbm>> -> memref<1000000x64xf32, #tpu.memory_space<hbm>>
        tpu.enqueue_indirect_dma source(%dma_start3A_392 : memref<1000000x64xf32, #tpu.memory_space<hbm>>) target(%dma_start3A_386 : memref<96x64xf32, #tpu.memory_space<vmem>>) offsets(%dma_start3A_389 : memref<96xi32, #tpu.memory_space<vmem>>) semaphore(%arg8 : memref<!tpu.dma_semaphore, #tpu.memory_space<semaphore_mem>>)
      } else {
      }
      %dma_wait3A_264 = arith.constant 0 : i32
      %dma_wait3A_265 = arith.constant 0 : i32
      %dma_wait3A_266 = arith.constant 0 : i32
      %dma_wait3A_267 = tpu.memref_slice %arg4[%dma_wait3A_264, %dma_wait3A_265, %dma_wait3A_266] : memref<4096x200x64xf32, #tpu.memory_space<hbm>> -> memref<4x200x64xf32, #tpu.memory_space<hbm>>
      %dma_wait3A_268 = arith.constant 0 : i32
      %dma_wait3A_269 = arith.constant 0 : i32
      %dma_wait3A_270 = arith.constant 0 : i32
      %dma_wait3A_271 = tpu.memref_slice %arg4[%dma_wait3A_268, %dma_wait3A_269, %dma_wait3A_270] : memref<4096x200x64xf32, #tpu.memory_space<hbm>> -> memref<4x200x64xf32, #tpu.memory_space<hbm>>
      tpu.wait_dma2 semaphore(%arg9 : memref<!tpu.dma_semaphore, #tpu.memory_space<semaphore_mem>>) src(%dma_wait3A_271 : memref<4x200x64xf32, #tpu.memory_space<hbm>>) dst(%arg7 : memref<4x200x64xf32, #tpu.memory_space<vmem>>)
      %add3A_272 = arith.constant 1 : i32
      %add3A_273 = arith.addi %mul3A_122, %add3A_272 : i32
      %mul3A_274 = arith.constant 4 : i32
      %mul3A_275 = arith.muli %add3A_273, %mul3A_274 : i32
      %add3A_276 = arith.addi %mul3A_2, %mul3A_275 : i32
      %dma_start3A_277 = arith.constant 0 : i32
      %dma_start3A_278 = arith.constant 0 : i32
      %dma_start3A_279 = tpu.memref_slice %arg4[%add3A_276, %dma_start3A_277, %dma_start3A_278] : memref<4096x200x64xf32, #tpu.memory_space<hbm>> -> memref<4x200x64xf32, #tpu.memory_space<hbm>>
      %dma_start3A_280 = arith.constant 0 : i32
      %dma_start3A_281 = arith.constant 0 : i32
      %dma_start3A_282 = tpu.memref_slice %arg4[%add3A_276, %dma_start3A_280, %dma_start3A_281] : memref<4096x200x64xf32, #tpu.memory_space<hbm>> -> memref<4x200x64xf32, #tpu.memory_space<hbm>>
      tpu.enqueue_dma source(%arg7 : memref<4x200x64xf32, #tpu.memory_space<vmem>>) target(%dma_start3A_282 : memref<4x200x64xf32, #tpu.memory_space<hbm>>) target_semaphore(%arg11 : memref<!tpu.dma_semaphore, #tpu.memory_space<semaphore_mem>>)
    }
    %scan3A_112 = arith.constant 16 : i32
    %dma_wait3A = arith.constant 0 : i32
    %dma_wait3A_113 = arith.constant 0 : i32
    %dma_wait3A_114 = arith.constant 0 : i32
    %dma_wait3A_115 = tpu.memref_slice %arg4[%dma_wait3A, %dma_wait3A_113, %dma_wait3A_114] : memref<4096x200x64xf32, #tpu.memory_space<hbm>> -> memref<4x200x64xf32, #tpu.memory_space<hbm>>
    %dma_wait3A_116 = arith.constant 0 : i32
    %dma_wait3A_117 = arith.constant 0 : i32
    %dma_wait3A_118 = arith.constant 0 : i32
    %dma_wait3A_119 = tpu.memref_slice %arg4[%dma_wait3A_116, %dma_wait3A_117, %dma_wait3A_118] : memref<4096x200x64xf32, #tpu.memory_space<hbm>> -> memref<4x200x64xf32, #tpu.memory_space<hbm>>
    tpu.wait_dma2 semaphore(%arg11 : memref<!tpu.dma_semaphore, #tpu.memory_space<semaphore_mem>>) src(%arg7 : memref<4x200x64xf32, #tpu.memory_space<vmem>>) dst(%dma_wait3A_119 : memref<4x200x64xf32, #tpu.memory_space<hbm>>)
    return
  }
}

</mosaic_0001>

<sc_bundles>
// kernel: kernel.3.cloned.1.call-start
scs
__scs_entry_jumppad:
0x0: {  	(pc) =	sbr.rel $0x88, $3  }
0x1: {  	(tag) =	ssettag $0x0;
	lr =	simm.s32 $0x1  }
0x2: {  	[smem:$0x3F9F] =	sst lr;
	_ =	strace $0xD0000000  }
0x3: {  	_ = 	snop  }
0x4: {  	_ = 	snop  }
0x5: {  	_ = 	snop  }
0x6: {  	_ = 	snop  }
0x7: {  	_ = 	snop  }
__scs_overlays_trampoline_lowered:
0x8: {  	[smem:$0x3FAE] =	sst s0  }
0x9: {  	[smem:$0x3FAF] =	sst s1  }
0xa: {  	[smem:$0x3FB0] =	sst s2  }
0xb: {  	[smem:$0x3FB1] =	sst s3  }
0xc: {  	[smem:$0x3FB2] =	sst s4  }
0xd: {  	[smem:$0x3FB3] =	sst s5  }
0xe: {  	[smem:$0x3FB4] =	sst s6  }
0xf: {  	[smem:$0x3FB5] =	sst s7  }
0x10: {  	[smem:$0x3FB6] =	sst s8  }
0x11: {  	[smem:$0x3FB7] =	sst s9;
	s0 =	simm.s32 @!p0 $0x0  }
0x12: {  	s1 =	sld [smem:$0x3F9D];
	s0 =	simm.s32 @p0 $0x1  }
0x13: {  	[smem:$0x3FB8] =	sst s0;
	s0 =	simm.s32 @!p1 $0x0  }
0x14: {  	s2 =	sld [smem:$0x3F9C];
	s0 =	simm.s32 @p1 $0x1  }
0x15: {  	[smem:$0x3FB9] =	sst s0;
	s0 =	simm.s32 @!p2 $0x0  }
0x16: {  	s3 =	sld [smem:$0x3FDB];
	s0 =	simm.s32 @p2 $0x1  }
0x17: {  	s4 =	simm.s32 $0x1BF5;
	[smem:$0x3FBB] =	sst s0  }
0x18: {  	s0 =	sld [smem:$0x3F9E];
	_ =	swait.ge [sflag:s4], $0x0  }
0x19: {  	s7 =	sld [smem:$0x3F9F]  }
0x1a: {  	s8 =	sadd.s32 $0xFFFFE003, lr  }
0x1b: {  	s9 =	sadd.s32 $0xFFFFFEF7, lr;
	s5 =	simm.s32 $0xFFFFFFFF;
	p2 =	slt.u32 s8, $0xFFFFF086  }
0x1c: {  	p1 =	slt.u32 s9, $0xF7A;
	s5 =	simm.s32 @!p2 $0x0  }
0x1d: {  	s5 =	simm.s32 @p1 $0x1;
	p0 =	seq.s32 s7, s2  }
0x1e: {  	s7 =	smul.u32 @!p0 $0xF7A, s2;
	p2 =	seq.s32 @!p0 s5, $0x0  }
0x1f: {  	s9 =	smul.u32 $0xF7A, s1;
	s8 =	simm.s32 @!p0 $0x1BF5;
	p2 =	por !p2, p0  }
0x20: {  	[sflag:s8] =	ssyncset.s32 @!p0 $0xFFFFF086;
	s6 =	sadd.s32 @!p0 s3, s7;
	s7 =	simm.s32 @!p0 $0x108  }
0x21: {  	s3 =	sadd.s32 s3, s9;
	s6 =	sadd.s32 @!p0 $0x88, s6;
	s7 =	simm.s32 @p2 $0x1082  }
0x22: {  	[simem:s7], [sflag:s8] =	dma.local @!p0 [hbm:s6], $0xF7A  }
0x23: {  	s9 =	sor.u32 $0xD0000000, s2;
	s6 =	simm.s32 $0x108;
	_ =	swait.ge @!p0 [sflag:s8], $0x0  }
0x24: {  	s3 =	sadd.s32 $0x88, s3;
	s6 =	simm.s32 @!p1 $0x1082;
	[sflag:s4] =	ssyncset.s32 $0xFFFFF086  }
0x25: {  	[simem:s6], [sflag:s4] =	dma.local [hbm:s3], $0xF7A  }
0x26: {  	[smem:$0x3F9F] =	sst s1;
	(tag) =	ssettag s2;
	_ =	strace s9  }
0x27: {  	s1 =	sld [smem:$0x3FAF]  }
0x28: {  	s2 =	sld [smem:$0x3FB0]  }
0x29: {  	s4 =	sld [smem:$0x3FB2]  }
0x2a: {  	p0 =	seq.s32 s5, $0x0;
	s5 =	sld [smem:$0x3FB3]  }
0x2b: {  	s6 =	sld [smem:$0x3FB4]  }
0x2c: {  	s7 =	sld [smem:$0x3FB5]  }
0x2d: {  	s3 =	simm.s32 $0x108;
	s8 =	sld [smem:$0x3FB6]  }
0x2e: {  	s3 =	simm.s32 @!p0 $0x1082;
	s9 =	sld [smem:$0x3FB7]  }
0x2f: {  	lr =	sadd.s32 s0, s3;
	s0 =	sld [smem:$0x3FAE]  }
0x30: {  	s3 =	sld [smem:$0x3FB1]  }
0x31: {  	[smem:$0x3FBA] =	sst s10  }
0x32: {  	s10 =	sld [smem:$0x3FB8];
	_ =	sdelay $0x3  }
0x33: {  	p0 =	seq.s32 s10, $0x1;
	s10 =	sld [smem:$0x3FBA];
	_ =	sdelay $0x3  }
0x34: {  	[smem:$0x3FBA] =	sst s10  }
0x35: {  	s10 =	sld [smem:$0x3FB9];
	_ =	sdelay $0x3  }
0x36: {  	p1 =	seq.s32 s10, $0x1;
	s10 =	sld [smem:$0x3FBA];
	_ =	sdelay $0x3  }
0x37: {  	[smem:$0x3FBA] =	sst s10  }
0x38: {  	s10 =	sld [smem:$0x3FBB]  }
0x39: {  	_ = 	snop;
	(pc) =	sbr.ind lr, $3  }
0x3a: {  	_ = 	snop  }
0x3b: {  	_ = 	snop  }
0x3c: {  	p2 =	seq.s32 s10, $0x1;
	s10 =	sld [smem:$0x3FBA]  }
0x3d: {  	_ =	shalt  }
0x3e: {  	_ =	shalt  }
0x3f: {  	_ =	shalt  }
0x40: {  	_ =	shalt  }
0x41: {  	_ =	shalt  }
0x42: {  	_ =	shalt  }
0x43: {  	_ =	shalt  }
0x44: {  	_ =	shalt  }
0x45: {  	_ =	shalt  }
0x46: {  	_ =	shalt  }
0x47: {  	_ =	shalt  }
0x48: {  	_ =	shalt  }
0x49: {  	_ =	shalt  }
0x4a: {  	_ =	shalt  }
0x4b: {  	_ =	shalt  }
0x4c: {  	_ =	shalt  }
0x4d: {  	_ =	shalt  }
0x4e: {  	_ =	shalt  }
0x4f: {  	_ =	shalt  }
0x50: {  	_ =	shalt  }
0x51: {  	_ =	shalt  }
0x52: {  	_ =	shalt  }
0x53: {  	_ =	shalt  }
0x54: {  	_ =	shalt  }
0x55: {  	_ =	shalt  }
0x56: {  	_ =	shalt  }
0x57: {  	_ =	shalt  }
0x58: {  	_ =	shalt  }
0x59: {  	_ =	shalt  }
0x5a: {  	_ =	shalt  }
0x5b: {  	_ =	shalt  }
0x5c: {  	_ =	shalt  }
0x5d: {  	_ =	shalt  }
0x5e: {  	_ =	shalt  }
0x5f: {  	_ =	shalt  }
0x60: {  	_ =	shalt  }
0x61: {  	_ =	shalt  }
0x62: {  	_ =	shalt  }
0x63: {  	_ =	shalt  }
0x64: {  	_ =	shalt  }
0x65: {  	_ =	shalt  }
0x66: {  	_ =	shalt  }
0x67: {  	_ =	shalt  }
0x68: {  	_ =	shalt  }
0x69: {  	_ =	shalt  }
0x6a: {  	_ =	shalt  }
0x6b: {  	_ =	shalt  }
0x6c: {  	_ =	shalt  }
0x6d: {  	_ =	shalt  }
0x6e: {  	_ =	shalt  }
0x6f: {  	_ =	shalt  }
0x70: {  	_ =	shalt  }
0x71: {  	_ =	shalt  }
0x72: {  	_ =	shalt  }
0x73: {  	_ =	shalt  }
0x74: {  	_ =	shalt  }
0x75: {  	_ =	shalt  }
0x76: {  	_ =	shalt  }
0x77: {  	_ =	shalt  }
0x78: {  	_ =	shalt  }
0x79: {  	_ =	shalt  }
0x7a: {  	_ =	shalt  }
0x7b: {  	_ =	shalt  }
0x7c: {  	_ =	shalt  }
0x7d: {  	_ =	shalt  }
0x7e: {  	_ =	shalt  }
0x7f: {  	_ =	shalt  }
0x80: {  	_ =	shalt  }
0x81: {  	_ =	shalt  }
0x82: {  	_ =	shalt  }
0x83: {  	_ =	shalt  }
0x84: {  	_ =	shalt  }
0x85: {  	_ =	shalt  }
0x86: {  	_ =	shalt  }
0x87: {  	_ =	shalt  }
.Lfunc_end0:
.L_simem_size_0:
called_computation.1_lowered:
.L_overlay_start_0:
0x88: {  	s2 =	sld [smem:$0x3FD9]  }
0x89: {  	s3 =	sld [smem:$0x3FFE];
	_ =	sdelay $0x1  }
0x8a: {  	s1 =	srdreg.scid  }
0x8b: {  	s0 =	sand.u32 $0x1, s1  }
0x8c: {  	s17 =	sshll.u32 s0, $0xA;
	s2 =	sadd.s32 s3, s2  }
0x8d: {  	s2 =	sadd.s32 s2, s17  }
0x8e: {  	[smem:$0x3FC6] =	sst s2  }
0x8f: {  	_ = 	snop  }
0x90: {  	s2 =	sld [smem:$0x3FD0];
	(tm) =	ssettm $0x1  }
0x91: {  	s18 =	sld [smem:$0x3FFB];
	_ =	sdelay $0x3  }
0x92: {  	_ =	strace s18  }
0x93: {  	s3 =	sld [smem:$0x3FFC];
	_ =	sdelay $0x3  }
0x94: {  	_ =	strace s3  }
0x95: {  	s3 =	sld [smem:$0x3FFD];
	_ =	sdelay $0x3  }
0x96: {  	_ =	strace s3  }
0x97: {  	_ =	strace $0x8FFFFFFF  }
0x98: {  	s19 =	sld [smem:$0x3FDB];
	_ =	sdelay $0x1  }
0x99: {  	s4 =	simm.s32 $_scs_section_size  }
0x9a: {  	s5 =	simm.s32 $_size__tile_overlayer_lowered;
	s6 =	simm.s32 $_tile_overlayer_lowered  }
0x9b: {  	s22 =	simm.s32 $0x1BFF;
	s21 =	sshll.u32 s6, $0x1;
	s3 =	sadd.s32 s4, s19  }
0x9c: {  	s7 =	simm.s32 $0x0;
	s20 =	sshll.u32 s5, $0x1;
	s5 =	sadd.s32 s21, s3  }
0x9d: {  	[timem:s7], [sflag:s22] =	dma.local [hbm:s5], s20  }
0x9e: {  	_ =	swait.ge [sflag:s22], s20  }
0x9f: {  	s4 =	ssub.s32 $0x0, s20;
	[sflag:s22] =	ssyncset.done $0x0  }
0xa0: {  	[sflag:s22] =	ssyncadd.s32 s4;
	_ =	sdelay $0x1  }
0xa1: {  	s23 =	simm.s32 $0x1B8B  }
0xa2: {  	_ =	swait.ge [sflag:s23], $0x1  }
0xa3: {  	[sflag:s23] =	ssyncset.done $0x0  }
0xa4: {  	s25 =	simm.s32 $0x1B8E;
	s24 =	sld [smem:$0x3FFE];
	[sflag:s23] =	ssyncadd.s32 $0xFFFFFFFF  }
0xa5: {  	s26 =	simm.s32 $execute0_lowered;
	[smem:$0x3FD2] =	sst s25  }
0xa6: {  	s5 =	sshll.u32 s26, $0x1;
	_ =	strace $0x80000046;
	[dreg:$0x1] =	wrdreg $0xFFFFFFFF  }
0xa7: {  	s28 =	simm.s32 $_size_execute0_lowered;
	s3 =	sadd.s32 s3, s5;
	[dreg:$0x0] =	wrdreg $0x0  }
0xa8: {  	s5 =	sshll.u32 s28, $0x1;
	[dreg:$0x2] =	wrdreg s3  }
0xa9: {  	[dreg:$0x3] =	wrdreg s5  }
0xaa: {  	[dreg:$0x4] =	wrdreg $0xC0  }
0xab: {  	_ =	task [dreg:s7], $0x5FFFF  }
0xac: {  	[dreg:$0x1] =	wrdreg $0xFFFFFFFF  }
0xad: {  	[dreg:$0x0] =	wrdreg $0x60  }
0xae: {  	[dreg:$0x2] =	wrdreg s24  }
0xaf: {  	[dreg:$0x3] =	wrdreg s2  }
0xb0: {  	[dreg:$0x4] =	wrdreg $0x9  }
0xb1: {  	_ =	task.clear_ibuf [dreg:s7], $0x5FFFF;
	_ =	strace $0x90000046  }
0xb2: {  	s29 =	simm.s32 $0x9;
	_ =	strace $0x80000048  }
0xb3: {  	_ =	swait.ge [sflag:s29], $0x1  }
0xb4: {  	[sflag:s29] =	ssyncadd.s32 $0xFFFFFFFF  }
0xb5: {  	_ =	strace $0x90000048  }
0xb6: {  	_ =	sfence  }
0xb7: {  	s30 =	sld [smem:$0x0];
	_ =	sdelay $0x2  }
0xb8: {  	s31 =	sshll.u32 s1, $0xD;
	s1 =	sshrl.u32 s1, $0x2  }
0xb9: {  	s3 =	sand.u32 $0x4000, s31;
	s1 =	sadd.s32 s1, s30  }
0xba: {  	s0 =	sor.u32 s3, s0;
	s1 =	sshll.u32 s1, $0x11  }
0xbb: {  	s0 =	sor.u32 s1, s0  }
0xbc: {  	s0 =	sadd.s32 $0x8F2B, s0  }
0xbd: {  	[sflag:s0] =	ssyncadd.remote.s32 $0x1  }
0xbe: {  	_ =	sfence.sel $0xFFFF  }
0xbf: {  	[dreg:$0x0] =	wrdreg $0xFFFFFFFF;
	(pc) =	sbr.abs _section_cstart, $3  }
0xc0: {  	[dreg:$0x1] =	wrdreg $0xFFFFFFFF  }
0xc1: {  	_ =	task.clear_ibuf [dreg:s7], $0x2FFFF;
	_ =	strace $0x9FFFFFFF  }
0xc2: {  	(tm) =	ssettm $0x7FFFFFFF  }
0xc3: {  	_ =	shalt  }
tec
execute0_lowered:
.L_overlay_start_1:
0x0: {  	(tag) =	ssettag $0x1  }
0x1: {  	s0 =	srdreg.scid;
	s3 =	rddreg [dreg:$0x0]  }
0x2: {  	s14 =	stileid.u32;
	s4 =	rddreg [dreg:$0x1]  }
0x3: {  	s15 =	simm.s32 $0x68;
	s16 =	simm.s32 $0x640;
	s17 =	simm.s32 $0x60  }
0x4: {  	s29 =	simm.s32 $0x2040;
	s31 =	simm.s32 $0xC8;
	s18 =	simm.s32 $0xB640  }
0x5: {  	s22 =	simm.s32 $0x1;
	s19 =	simm.s32 $0x0;
	s24 =	smul.u32 $0x64000, s14  }
0x6: {  	s0 =	sand.u32 $0x1, s0;
	s1 =	sshll.u32 s14, $0x8;
	s26 =	smul.u32 $0x1900, s14  }
0x7: {  	s11 =	sadd.s32 $0xA00, s3;
	s2 =	sshll.u32 s0, $0x7;
	s25 =	smul.u32 $0x32000, s0  }
0x8: {  	s10 =	ssub.s32 $0x2, s0;
	s0 =	smul.u32 $0xC80, s0;
	s1 =	sor.u32 s2, s1  }
0x9: {  	s3 =	sadd.s32 $0xF42E00, s3;
	s14 =	simm.s32 $0x5;
	s5 =	smul.u32 $0x19, s1  }
0xa: {  	s2 =	simm.s32 $0x0;
	s6 =	sor.u32 $0x4, s1;
	s9 =	smul.u32 $0x640, s1  }
0xb: {  	s12 =	sshrl.u32 s10, $0x1;
	s8 =	sor.u32 $0x8, s1;
	s7 =	smul.u32 $0x19, s6  }
0xc: {  	[smem:$0x7FF] =	sst s2;
	s1 =	sor.u32 $0x7C, s1;
	s8 =	smul.u32 $0x19, s8  }
0xd: {  	s10 =	ssub.s32 s10, s12;
	s12 =	simm.s32 $0x9C40;
	s6 =	smul.u32 $0x640, s6  }
0xe: {  	_ =	strace $0x80000047;
	s13 =	smul.u32 $0x19, s1;
	s23 =	smax.u32 s10, $0x1  }
0xf: {  	s1 =	smul.u32 $0x640, s1;
	s5 =	sadd.s32 s11, s5;
	[dreg:$0x5] =	wrdreg s23  }
0x10: {  	s10 =	simm.s32 $0x1F8;
	s9 =	sadd.s32 s4, s9;
	[dreg:$0x4] =	wrdreg s5  }
0x11: {  	s23 =	simm.s32 $0x3;
	s7 =	sadd.s32 s11, s7;
	[dreg:$0x7] =	wrdreg s9  }
0x12: {  	s8 =	sadd.s32 s11, s8;
	s6 =	sadd.s32 s4, s6;
	[dreg:$0x6] =	wrdreg s7  }
0x13: {  	s28 =	sadd.s32 s11, s13;
	s5 =	sadd.s32 s24, s4;
	[dreg:$0x8] =	wrdreg s8  }
0x14: {  	s30 =	sadd.s32 $0x2EE00, s9;
	s1 =	sadd.s32 s4, s1;
	[dreg:$0x9] =	wrdreg s6  }
0x15: {  	s4 =	simm.s32 $0x3840;
	s9 =	simm.s32 $0x6A40;
	[dreg:$0xa] =	wrdreg s28  }
0x16: {  	s13 =	simm.s32 $0x2C0;
	s24 =	simm.s32 $0x2;
	[dreg:$0xb] =	wrdreg s30  }
0x17: {  	s5 =	sadd.s32 s25, s5;
	s6 =	sadd.s32 s26, s11;
	[dreg:$0xc] =	wrdreg s1  }
0x18: {  	s8 =	simm.s32 $0x190;
	s11 =	simm.s32 $0x8440;
	s7 =	simm.s32 $0x258  }
0x19: {  	s1 =	simm.s32 $0x320;
	s25 =	simm.s32 $0x4;
	s0 =	sadd.s32 s0, s6  }
0x1a: {  	[dreg:$0x3] =	wrdreg s5;
	s5 =	simm.s32 $0x130;
	s0 =	sadd.s32 $0x12C, s0  }
0x1b: {  	s6 =	simm.s32 $0x5240;
	[dreg:$0xd] =	wrdreg s0;
	s0 =	simm.s32 $0xCE40  }
.LBB2_1:
0x1c: {  	[dreg:$0xe] =	wrdreg s19  }
0x1d: {  	s26 =	rddreg [dreg:$0x4]  }
0x1e: {  	[tilespmem:s2], [sflag:$0x5] =	stream.linear.gather [hbm4b:s26+s2], $0x320, $0x38;
	[tilespmem:$0x19640] =	vst v63  }
0x1f: {  	_ =	swait.ge [sflag:s14], $0x320  }
0x20: {  	[sflag:s14] =	ssyncset.done $0x0  }
0x21: {  	[sflag:s14] =	ssyncadd.s32 $0xFFFFFCE0  }
0x22: {  	[tilespmem:s16], [sflag:$0x1] =	stream.indirect.gather [hbm4b:s3+s15], $0x40, s2, s15, $0xb8;
	[tilespmem:$0x19640] =	vst v63  }
0x23: {  	_ = 	snop  }
0x24: {  	[tilespmem:s29], [sflag:$0x1] =	stream.indirect.gather [hbm4b:s3+s17], $0x40, s15, s17, $0xb8;
	[tilespmem:$0x19640] =	vst v63  }
0x25: {  	_ = 	snop  }
0x26: {  	[tilespmem:s4], [sflag:$0x1] =	stream.indirect.gather [hbm4b:s3+s15], $0x40, s31, s15, $0xb8;
	[tilespmem:$0x19640] =	vst v63  }
0x27: {  	_ = 	snop  }
0x28: {  	[tilespmem:s6], [sflag:$0x1] =	stream.indirect.gather [hbm4b:s3+s17], $0x40, s5, s17, $0xb8;
	[tilespmem:$0x19640] =	vst v63  }
0x29: {  	_ = 	snop  }
0x2a: {  	[tilespmem:s9], [sflag:$0x1] =	stream.indirect.gather [hbm4b:s3+s15], $0x40, s8, s15, $0xb8;
	[tilespmem:$0x19640] =	vst v63  }
0x2b: {  	_ = 	snop  }
0x2c: {  	[tilespmem:s11], [sflag:$0x1] =	stream.indirect.gather [hbm4b:s3+s17], $0x40, s10, s17, $0xb8;
	[tilespmem:$0x19640] =	vst v63  }
0x2d: {  	_ = 	snop  }
0x2e: {  	[tilespmem:s12], [sflag:$0x1] =	stream.indirect.gather [hbm4b:s3+s15], $0x40, s7, s15, $0xb8;
	[tilespmem:$0x19640] =	vst v63  }
0x2f: {  	_ = 	snop  }
0x30: {  	[tilespmem:s18], [sflag:$0x1] =	stream.indirect.gather [hbm4b:s3+s17], $0x40, s13, s17, $0xb8;
	[tilespmem:$0x19640] =	vst v63  }
0x31: {  	s19 =	rddreg [dreg:$0x6]  }
0x32: {  	[tilespmem:s1], [sflag:$0x5] =	stream.linear.gather [hbm4b:s19+s2], $0x320, $0x38;
	[tilespmem:$0x19640] =	vst v63  }
0x33: {  	_ =	swait.ge [sflag:s14], $0x320  }
0x34: {  	[sflag:s14] =	ssyncset.done $0x0  }
0x35: {  	[sflag:s14] =	ssyncadd.s32 $0xFFFFFCE0  }
0x36: {  	[tilespmem:s0], [sflag:$0x2] =	stream.indirect.gather [hbm4b:s3+s15], $0x40, s1, s15, $0xb8;
	[tilespmem:$0x19640] =	vst v63  }
0x37: {  	s20 =	simm.s32 $0x388;
	s28 =	simm.s32 $0xE840  }
0x38: {  	[tilespmem:s28], [sflag:$0x2] =	stream.indirect.gather [hbm4b:s3+s17], $0x40, s20, s17, $0xb8;
	[tilespmem:$0x19640] =	vst v63  }
0x39: {  	s21 =	simm.s32 $0x3E8;
	s20 =	simm.s32 $0x10040  }
0x3a: {  	[tilespmem:s20], [sflag:$0x2] =	stream.indirect.gather [hbm4b:s3+s15], $0x40, s21, s15, $0xb8;
	[tilespmem:$0x19640] =	vst v63  }
0x3b: {  	s19 =	simm.s32 $0x11A40;
	s21 =	simm.s32 $0x450  }
0x3c: {  	[tilespmem:s19], [sflag:$0x2] =	stream.indirect.gather [hbm4b:s3+s17], $0x40, s21, s17, $0xb8;
	[tilespmem:$0x19640] =	vst v63  }
0x3d: {  	s30 =	simm.s32 $0x13240;
	s26 =	simm.s32 $0x4B0  }
0x3e: {  	[tilespmem:s30], [sflag:$0x2] =	stream.indirect.gather [hbm4b:s3+s15], $0x40, s26, s15, $0xb8;
	[tilespmem:$0x19640] =	vst v63  }
0x3f: {  	s26 =	simm.s32 $0x518;
	s30 =	simm.s32 $0x14C40  }
0x40: {  	[tilespmem:s30], [sflag:$0x2] =	stream.indirect.gather [hbm4b:s3+s17], $0x40, s26, s17, $0xb8;
	[tilespmem:$0x19640] =	vst v63  }
0x41: {  	s26 =	simm.s32 $0x578;
	s30 =	simm.s32 $0x16440  }
0x42: {  	[tilespmem:s30], [sflag:$0x2] =	stream.indirect.gather [hbm4b:s3+s15], $0x40, s26, s15, $0xb8;
	[tilespmem:$0x19640] =	vst v63  }
0x43: {  	s26 =	simm.s32 $0x5E0;
	s30 =	simm.s32 $0x17E40  }
0x44: {  	[tilespmem:s30], [sflag:$0x2] =	stream.indirect.gather [hbm4b:s3+s17], $0x40, s26, s17, $0xb8;
	[tilespmem:$0x19640] =	vst v63  }
0x45: {  	_ =	swait.ge [sflag:s22], $0xC800  }
0x46: {  	[sflag:s22] =	ssyncset.done $0x0  }
0x47: {  	s21 =	rddreg [dreg:$0x7];
	[sflag:s22] =	ssyncadd.s32 $0xFFFF3800  }
0x48: {  	[hbm4b:s21+s2] =	stream.linear.scatter [tilespmem:s16], [sflag:$0x3], $0xC800, $0x38;
	[tilespmem:$0x19640] =	vst v63  }
0x49: {  	_ =	swait.ge [sflag:s23], $0xC800  }
0x4a: {  	[sflag:s23] =	ssyncset.done $0x0  }
0x4b: {  	s30 =	rddreg [dreg:$0x8];
	[sflag:s23] =	ssyncadd.s32 $0xFFFF3800  }
0x4c: {  	[tilespmem:s2], [sflag:$0x5] =	stream.linear.gather [hbm4b:s30+s2], $0x320, $0x38;
	[tilespmem:$0x19640] =	vst v63  }
0x4d: {  	_ =	swait.ge [sflag:s14], $0x320  }
0x4e: {  	[sflag:s14] =	ssyncset.done $0x0  }
0x4f: {  	[sflag:s14] =	ssyncadd.s32 $0xFFFFFCE0  }
0x50: {  	[tilespmem:s16], [sflag:$0x1] =	stream.indirect.gather [hbm4b:s3+s15], $0x40, s2, s15, $0xb8;
	[tilespmem:$0x19640] =	vst v63  }
0x51: {  	_ = 	snop  }
0x52: {  	[tilespmem:s29], [sflag:$0x1] =	stream.indirect.gather [hbm4b:s3+s17], $0x40, s15, s17, $0xb8;
	[tilespmem:$0x19640] =	vst v63  }
0x53: {  	_ = 	snop  }
0x54: {  	[tilespmem:s4], [sflag:$0x1] =	stream.indirect.gather [hbm4b:s3+s15], $0x40, s31, s15, $0xb8;
	[tilespmem:$0x19640] =	vst v63  }
0x55: {  	_ = 	snop  }
0x56: {  	[tilespmem:s6], [sflag:$0x1] =	stream.indirect.gather [hbm4b:s3+s17], $0x40, s5, s17, $0xb8;
	[tilespmem:$0x19640] =	vst v63  }
0x57: {  	_ = 	snop  }
0x58: {  	[tilespmem:s9], [sflag:$0x1] =	stream.indirect.gather [hbm4b:s3+s15], $0x40, s8, s15, $0xb8;
	[tilespmem:$0x19640] =	vst v63  }
0x59: {  	_ = 	snop  }
0x5a: {  	[tilespmem:s11], [sflag:$0x1] =	stream.indirect.gather [hbm4b:s3+s17], $0x40, s10, s17, $0xb8;
	[tilespmem:$0x19640] =	vst v63  }
0x5b: {  	_ = 	snop  }
0x5c: {  	[tilespmem:s12], [sflag:$0x1] =	stream.indirect.gather [hbm4b:s3+s15], $0x40, s7, s15, $0xb8;
	[tilespmem:$0x19640] =	vst v63  }
0x5d: {  	_ = 	snop  }
0x5e: {  	[tilespmem:s18], [sflag:$0x1] =	stream.indirect.gather [hbm4b:s3+s17], $0x40, s13, s17, $0xb8;
	[tilespmem:$0x19640] =	vst v63  }
0x5f: {  	_ =	swait.ge [sflag:s24], $0xC800  }
0x60: {  	[sflag:s24] =	ssyncset.done $0x0  }
0x61: {  	s21 =	rddreg [dreg:$0x9];
	[sflag:s24] =	ssyncadd.s32 $0xFFFF3800  }
0x62: {  	[hbm4b:s21+s2] =	stream.linear.scatter [tilespmem:s0], [sflag:$0x4], $0xC800, $0x38;
	[tilespmem:$0x19640] =	vst v63  }
0x63: {  	_ =	swait.ge [sflag:s25], $0xC800  }
0x64: {  	[sflag:s25] =	ssyncset.done $0x0  }
0x65: {  	s30 =	rddreg [dreg:$0xd];
	[sflag:s25] =	ssyncadd.s32 $0xFFFF3800  }
0x66: {  	[tilespmem:s1], [sflag:$0x5] =	stream.linear.gather [hbm4b:s30+s2], $0x320, $0x38;
	[tilespmem:$0x19640] =	vst v63  }
0x67: {  	_ =	swait.ge [sflag:s14], $0x320  }
0x68: {  	[sflag:s14] =	ssyncset.done $0x0  }
0x69: {  	[sflag:s14] =	ssyncadd.s32 $0xFFFFFCE0  }
0x6a: {  	[tilespmem:s0], [sflag:$0x2] =	stream.indirect.gather [hbm4b:s3+s15], $0x40, s1, s15, $0xb8;
	[tilespmem:$0x19640] =	vst v63  }
0x6b: {  	s26 =	simm.s32 $0x388  }
0x6c: {  	[tilespmem:s28], [sflag:$0x2] =	stream.indirect.gather [hbm4b:s3+s17], $0x40, s26, s17, $0xb8;
	[tilespmem:$0x19640] =	vst v63  }
0x6d: {  	s26 =	simm.s32 $0x3E8  }
0x6e: {  	[tilespmem:s20], [sflag:$0x2] =	stream.indirect.gather [hbm4b:s3+s15], $0x40, s26, s15, $0xb8;
	[tilespmem:$0x19640] =	vst v63  }
0x6f: {  	s26 =	simm.s32 $0x450  }
0x70: {  	[tilespmem:s19], [sflag:$0x2] =	stream.indirect.gather [hbm4b:s3+s17], $0x40, s26, s17, $0xb8;
	[tilespmem:$0x19640] =	vst v63  }
0x71: {  	s20 =	simm.s32 $0x4B0;
	s26 =	simm.s32 $0x13240  }
0x72: {  	[tilespmem:s26], [sflag:$0x2] =	stream.indirect.gather [hbm4b:s3+s15], $0x40, s20, s15, $0xb8;
	[tilespmem:$0x19640] =	vst v63  }
0x73: {  	s20 =	simm.s32 $0x518;
	s26 =	simm.s32 $0x14C40  }
0x74: {  	[tilespmem:s26], [sflag:$0x2] =	stream.indirect.gather [hbm4b:s3+s17], $0x40, s20, s17, $0xb8;
	[tilespmem:$0x19640] =	vst v63  }
0x75: {  	s20 =	simm.s32 $0x578;
	s26 =	simm.s32 $0x16440  }
0x76: {  	[tilespmem:s26], [sflag:$0x2] =	stream.indirect.gather [hbm4b:s3+s15], $0x40, s20, s15, $0xb8;
	[tilespmem:$0x19640] =	vst v63  }
0x77: {  	s20 =	simm.s32 $0x5E0;
	s26 =	simm.s32 $0x17E40  }
0x78: {  	[tilespmem:s26], [sflag:$0x2] =	stream.indirect.gather [hbm4b:s3+s17], $0x40, s20, s17, $0xb8;
	[tilespmem:$0x19640] =	vst v63  }
0x79: {  	_ =	swait.ge [sflag:s22], $0xC800  }
0x7a: {  	s19 =	rddreg [dreg:$0x3]  }
0x7b: {  	[sflag:s22] =	ssyncset.done $0x0;
	s28 =	sadd.s32 $0x0, s19  }
0x7c: {  	[sflag:s22] =	ssyncadd.s32 $0xFFFF3800;
	s26 =	sadd.s32 $0x3200, s28  }
0x7d: {  	[hbm4b:s26+s2] =	stream.linear.scatter [tilespmem:s16], [sflag:$0x3], $0xC800, $0x38;
	[tilespmem:$0x19640] =	vst v63  }
0x7e: {  	_ =	swait.ge [sflag:s23], $0xC800  }
0x7f: {  	[sflag:s23] =	ssyncset.done $0x0  }
0x80: {  	s20 =	sadd.s32 $0x64, s30;
	[sflag:s23] =	ssyncadd.s32 $0xFFFF3800  }
0x81: {  	[tilespmem:s2], [sflag:$0x5] =	stream.linear.gather [hbm4b:s20+s2], $0x320, $0x38;
	[tilespmem:$0x19640] =	vst v63  }
0x82: {  	_ =	swait.ge [sflag:s14], $0x320  }
0x83: {  	[sflag:s14] =	ssyncset.done $0x0  }
0x84: {  	[sflag:s14] =	ssyncadd.s32 $0xFFFFFCE0  }
0x85: {  	[tilespmem:s16], [sflag:$0x1] =	stream.indirect.gather [hbm4b:s3+s15], $0x40, s2, s15, $0xb8;
	[tilespmem:$0x19640] =	vst v63  }
0x86: {  	_ = 	snop  }
0x87: {  	[tilespmem:s29], [sflag:$0x1] =	stream.indirect.gather [hbm4b:s3+s17], $0x40, s15, s17, $0xb8;
	[tilespmem:$0x19640] =	vst v63  }
0x88: {  	_ = 	snop  }
0x89: {  	[tilespmem:s4], [sflag:$0x1] =	stream.indirect.gather [hbm4b:s3+s15], $0x40, s31, s15, $0xb8;
	[tilespmem:$0x19640] =	vst v63  }
0x8a: {  	_ = 	snop  }
0x8b: {  	[tilespmem:s6], [sflag:$0x1] =	stream.indirect.gather [hbm4b:s3+s17], $0x40, s5, s17, $0xb8;
	[tilespmem:$0x19640] =	vst v63  }
0x8c: {  	s21 =	simm.s32 $0xE840;
	s19 =	simm.s32 $0xB640  }
0x8d: {  	[tilespmem:s9], [sflag:$0x1] =	stream.indirect.gather [hbm4b:s3+s15], $0x40, s8, s15, $0xb8;
	[tilespmem:$0x19640] =	vst v63  }
0x8e: {  	s26 =	simm.s32 $0x3200;
	s29 =	sadd.s32 $0x4B00, s28;
	s28 =	sadd.s32 $0xC8, s30  }
0x8f: {  	[tilespmem:s11], [sflag:$0x1] =	stream.indirect.gather [hbm4b:s3+s17], $0x40, s10, s17, $0xb8;
	[tilespmem:$0x19640] =	vst v63  }
0x90: {  	s4 =	simm.s32 $0xC8;
	s31 =	simm.s32 $0x2040;
	s6 =	simm.s32 $0x130  }
0x91: {  	[tilespmem:s12], [sflag:$0x1] =	stream.indirect.gather [hbm4b:s3+s15], $0x40, s7, s15, $0xb8;
	[tilespmem:$0x19640] =	vst v63  }
0x92: {  	s5 =	simm.s32 $0x3840;
	s9 =	simm.s32 $0x190;
	s8 =	simm.s32 $0x5240  }
0x93: {  	[tilespmem:s18], [sflag:$0x1] =	stream.indirect.gather [hbm4b:s3+s17], $0x40, s13, s17, $0xb8;
	[tilespmem:$0x19640] =	vst v63  }
0x94: {  	s11 =	simm.s32 $0x1F8;
	s10 =	simm.s32 $0x6A40;
	_ =	swait.ge [sflag:s24], $0xC800  }
0x95: {  	s12 =	simm.s32 $0x258;
	s7 =	simm.s32 $0x8440;
	[sflag:s24] =	ssyncset.done $0x0  }
0x96: {  	s18 =	simm.s32 $0x2C0;
	s13 =	simm.s32 $0x9C40;
	[sflag:s24] =	ssyncadd.s32 $0xFFFF3800  }
.LBB2_2:
0x97: {  	[hbm4b:s29+s2] =	stream.linear.scatter [tilespmem:s0], [sflag:$0x4], $0xC800, $0x38;
	[tilespmem:$0x19640] =	vst v63  }
0x98: {  	_ =	swait.ge [sflag:s25], $0xC800  }
0x99: {  	[sflag:s25] =	ssyncset.done $0x0  }
0x9a: {  	[sflag:s25] =	ssyncadd.s32 $0xFFFF3800  }
0x9b: {  	[tilespmem:s1], [sflag:$0x5] =	stream.linear.gather [hbm4b:s28+s2], $0x320, $0x38;
	[tilespmem:$0x19640] =	vst v63  }
0x9c: {  	_ =	swait.ge [sflag:s14], $0x320  }
0x9d: {  	[sflag:s14] =	ssyncset.done $0x0  }
0x9e: {  	[sflag:s14] =	ssyncadd.s32 $0xFFFFFCE0  }
0x9f: {  	[tilespmem:s0], [sflag:$0x2] =	stream.indirect.gather [hbm4b:s3+s15], $0x40, s1, s15, $0xb8;
	[tilespmem:$0x19640] =	vst v63  }
0xa0: {  	s20 =	simm.s32 $0x388  }
0xa1: {  	[tilespmem:s21], [sflag:$0x2] =	stream.indirect.gather [hbm4b:s3+s17], $0x40, s20, s17, $0xb8;
	[tilespmem:$0x19640] =	vst v63  }
0xa2: {  	s30 =	simm.s32 $0x3E8;
	s20 =	simm.s32 $0x10040  }
0xa3: {  	[tilespmem:s20], [sflag:$0x2] =	stream.indirect.gather [hbm4b:s3+s15], $0x40, s30, s15, $0xb8;
	[tilespmem:$0x19640] =	vst v63  }
0xa4: {  	s20 =	simm.s32 $0x450;
	s30 =	simm.s32 $0x11A40  }
0xa5: {  	[tilespmem:s30], [sflag:$0x2] =	stream.indirect.gather [hbm4b:s3+s17], $0x40, s20, s17, $0xb8;
	[tilespmem:$0x19640] =	vst v63  }
0xa6: {  	s20 =	simm.s32 $0x4B0;
	s30 =	simm.s32 $0x13240  }
0xa7: {  	[tilespmem:s30], [sflag:$0x2] =	stream.indirect.gather [hbm4b:s3+s15], $0x40, s20, s15, $0xb8;
	[tilespmem:$0x19640] =	vst v63  }
0xa8: {  	s20 =	simm.s32 $0x518;
	s30 =	simm.s32 $0x14C40  }
0xa9: {  	[tilespmem:s30], [sflag:$0x2] =	stream.indirect.gather [hbm4b:s3+s17], $0x40, s20, s17, $0xb8;
	[tilespmem:$0x19640] =	vst v63  }
0xaa: {  	s20 =	simm.s32 $0x578;
	s30 =	simm.s32 $0x16440  }
0xab: {  	[tilespmem:s30], [sflag:$0x2] =	stream.indirect.gather [hbm4b:s3+s15], $0x40, s20, s15, $0xb8;
	[tilespmem:$0x19640] =	vst v63  }
0xac: {  	s20 =	simm.s32 $0x5E0;
	s30 =	simm.s32 $0x17E40  }
0xad: {  	[tilespmem:s30], [sflag:$0x2] =	stream.indirect.gather [hbm4b:s3+s17], $0x40, s20, s17, $0xb8;
	[tilespmem:$0x19640] =	vst v63  }
0xae: {  	_ =	swait.ge [sflag:s22], $0xC800  }
0xaf: {  	s29 =	smov.u32 s26;
	s20 =	rddreg [dreg:$0x3]  }
0xb0: {  	[sflag:s22] =	ssyncset.done $0x0;
	s29 =	sadd.s32 s29, s20  }
0xb1: {  	[sflag:s22] =	ssyncadd.s32 $0xFFFF3800;
	s30 =	sadd.s32 $0x3200, s29  }
0xb2: {  	[hbm4b:s30+s2] =	stream.linear.scatter [tilespmem:s16], [sflag:$0x3], $0xC800, $0x38;
	[tilespmem:$0x19640] =	vst v63  }
0xb3: {  	_ =	swait.ge [sflag:s23], $0xC800  }
0xb4: {  	[sflag:s23] =	ssyncset.done $0x0  }
0xb5: {  	s20 =	sadd.s32 $0x64, s28;
	[sflag:s23] =	ssyncadd.s32 $0xFFFF3800  }
0xb6: {  	[tilespmem:s2], [sflag:$0x5] =	stream.linear.gather [hbm4b:s20+s2], $0x320, $0x38;
	[tilespmem:$0x19640] =	vst v63  }
0xb7: {  	_ =	swait.ge [sflag:s14], $0x320  }
0xb8: {  	[sflag:s14] =	ssyncset.done $0x0  }
0xb9: {  	[sflag:s14] =	ssyncadd.s32 $0xFFFFFCE0  }
0xba: {  	[tilespmem:s16], [sflag:$0x1] =	stream.indirect.gather [hbm4b:s3+s15], $0x40, s2, s15, $0xb8;
	[tilespmem:$0x19640] =	vst v63  }
0xbb: {  	_ = 	snop  }
0xbc: {  	[tilespmem:s31], [sflag:$0x1] =	stream.indirect.gather [hbm4b:s3+s17], $0x40, s15, s17, $0xb8;
	[tilespmem:$0x19640] =	vst v63  }
0xbd: {  	_ = 	snop  }
0xbe: {  	[tilespmem:s5], [sflag:$0x1] =	stream.indirect.gather [hbm4b:s3+s15], $0x40, s4, s15, $0xb8;
	[tilespmem:$0x19640] =	vst v63  }
0xbf: {  	_ = 	snop  }
0xc0: {  	[tilespmem:s8], [sflag:$0x1] =	stream.indirect.gather [hbm4b:s3+s17], $0x40, s6, s17, $0xb8;
	[tilespmem:$0x19640] =	vst v63  }
0xc1: {  	_ = 	snop  }
0xc2: {  	[tilespmem:s10], [sflag:$0x1] =	stream.indirect.gather [hbm4b:s3+s15], $0x40, s9, s15, $0xb8;
	[tilespmem:$0x19640] =	vst v63  }
0xc3: {  	_ = 	snop  }
0xc4: {  	[tilespmem:s7], [sflag:$0x1] =	stream.indirect.gather [hbm4b:s3+s17], $0x40, s11, s17, $0xb8;
	[tilespmem:$0x19640] =	vst v63  }
0xc5: {  	p0 =	sne.s32 s26, $0x28A00  }
0xc6: {  	[tilespmem:s13], [sflag:$0x1] =	stream.indirect.gather [hbm4b:s3+s15], $0x40, s12, s15, $0xb8;
	[tilespmem:$0x19640] =	vst v63  }
.Ltmp0:
0xc7: {  	_ = 	snop;
	(pc) =	sbr.rel @p0 .LBB2_2-.Ltmp0, $4  }
0xc8: {  	[tilespmem:s19], [sflag:$0x1] =	stream.indirect.gather [hbm4b:s3+s17], $0x40, s18, s17, $0xb8;
	[tilespmem:$0x19640] =	vst v63  }
0xc9: {  	_ =	swait.ge [sflag:s24], $0xC800  }
0xca: {  	s26 =	sadd.s32 $0x3200, s26;
	[sflag:s24] =	ssyncset.done $0x0  }
0xcb: {  	s28 =	sadd.s32 $0xC8, s28;
	s29 =	sadd.s32 $0x4B00, s29;
	[sflag:s24] =	ssyncadd.s32 $0xFFFF3800  }
0xcc: {  	[hbm4b:s29+s2] =	stream.linear.scatter [tilespmem:s0], [sflag:$0x4], $0xC800, $0x38;
	[tilespmem:$0x19640] =	vst v63  }
0xcd: {  	_ =	swait.ge [sflag:s25], $0xC800  }
0xce: {  	[sflag:s25] =	ssyncset.done $0x0  }
0xcf: {  	s26 =	rddreg [dreg:$0xa];
	[sflag:s25] =	ssyncadd.s32 $0xFFFF3800  }
0xd0: {  	[tilespmem:s1], [sflag:$0x5] =	stream.linear.gather [hbm4b:s26+s2], $0x320, $0x38;
	[tilespmem:$0x19640] =	vst v63  }
0xd1: {  	_ =	swait.ge [sflag:s14], $0x320  }
0xd2: {  	[sflag:s14] =	ssyncset.done $0x0  }
0xd3: {  	[sflag:s14] =	ssyncadd.s32 $0xFFFFFCE0  }
0xd4: {  	[tilespmem:s0], [sflag:$0x2] =	stream.indirect.gather [hbm4b:s3+s15], $0x40, s1, s15, $0xb8;
	[tilespmem:$0x19640] =	vst v63  }
0xd5: {  	s4 =	simm.s32 $0x388  }
0xd6: {  	[tilespmem:s21], [sflag:$0x2] =	stream.indirect.gather [hbm4b:s3+s17], $0x40, s4, s17, $0xb8;
	[tilespmem:$0x19640] =	vst v63  }
0xd7: {  	s6 =	simm.s32 $0x3E8;
	s5 =	simm.s32 $0x10040  }
0xd8: {  	[tilespmem:s5], [sflag:$0x2] =	stream.indirect.gather [hbm4b:s3+s15], $0x40, s6, s15, $0xb8;
	[tilespmem:$0x19640] =	vst v63  }
0xd9: {  	s7 =	simm.s32 $0x450;
	s8 =	simm.s32 $0x11A40  }
0xda: {  	[tilespmem:s8], [sflag:$0x2] =	stream.indirect.gather [hbm4b:s3+s17], $0x40, s7, s17, $0xb8;
	[tilespmem:$0x19640] =	vst v63  }
0xdb: {  	s9 =	simm.s32 $0x4B0;
	s10 =	simm.s32 $0x13240  }
0xdc: {  	[tilespmem:s10], [sflag:$0x2] =	stream.indirect.gather [hbm4b:s3+s15], $0x40, s9, s15, $0xb8;
	[tilespmem:$0x19640] =	vst v63  }
0xdd: {  	s11 =	simm.s32 $0x518;
	s12 =	simm.s32 $0x14C40  }
0xde: {  	[tilespmem:s12], [sflag:$0x2] =	stream.indirect.gather [hbm4b:s3+s17], $0x40, s11, s17, $0xb8;
	[tilespmem:$0x19640] =	vst v63  }
0xdf: {  	s13 =	simm.s32 $0x578;
	s18 =	simm.s32 $0x16440  }
0xe0: {  	[tilespmem:s18], [sflag:$0x2] =	stream.indirect.gather [hbm4b:s3+s15], $0x40, s13, s15, $0xb8;
	[tilespmem:$0x19640] =	vst v63  }
0xe1: {  	s19 =	simm.s32 $0x5E0;
	s20 =	simm.s32 $0x17E40  }
0xe2: {  	[tilespmem:s20], [sflag:$0x2] =	stream.indirect.gather [hbm4b:s3+s17], $0x40, s19, s17, $0xb8;
	[tilespmem:$0x19640] =	vst v63  }
0xe3: {  	_ =	swait.ge [sflag:s22], $0xC800  }
0xe4: {  	[sflag:s22] =	ssyncset.done $0x0  }
0xe5: {  	s21 =	rddreg [dreg:$0xb];
	[sflag:s22] =	ssyncadd.s32 $0xFFFF3800  }
0xe6: {  	[hbm4b:s21+s2] =	stream.linear.scatter [tilespmem:s16], [sflag:$0x3], $0xC800, $0x38;
	[tilespmem:$0x19640] =	vst v63  }
0xe7: {  	_ =	swait.ge [sflag:s23], $0xC800  }
0xe8: {  	[sflag:s23] =	ssyncset.done $0x0  }
0xe9: {  	[sflag:s23] =	ssyncadd.s32 $0xFFFF3800  }
0xea: {  	_ =	swait.ge [sflag:s24], $0xC800  }
0xeb: {  	[sflag:s24] =	ssyncset.done $0x0  }
0xec: {  	s28 =	rddreg [dreg:$0xc];
	[sflag:s24] =	ssyncadd.s32 $0xFFFF3800  }
0xed: {  	[hbm4b:s28+s2] =	stream.linear.scatter [tilespmem:s0], [sflag:$0x4], $0xC800, $0x38;
	[tilespmem:$0x19640] =	vst v63  }
0xee: {  	_ =	swait.ge [sflag:s25], $0xC800  }
0xef: {  	s19 =	rddreg [dreg:$0xe]  }
0xf0: {  	s30 =	rddreg [dreg:$0x5];
	s19 =	sadd.s32 $0x1, s19  }
0xf1: {  	s29 =	simm.s32 $0x2040;
	p0 =	sne.s32 s19, s30  }
.Ltmp1:
0xf2: {  	s31 =	simm.s32 $0xC8;
	s4 =	simm.s32 $0x3840;
	(pc) =	sbr.rel @p0 .LBB2_1-.Ltmp1, $4  }
0xf3: {  	s5 =	simm.s32 $0x130;
	s6 =	simm.s32 $0x5240;
	s8 =	simm.s32 $0x190  }
0xf4: {  	s7 =	simm.s32 $0x258;
	s9 =	simm.s32 $0x6A40;
	s10 =	simm.s32 $0x1F8  }
0xf5: {  	s11 =	simm.s32 $0x8440;
	s12 =	simm.s32 $0x9C40;
	[sflag:s25] =	ssyncset.done $0x0  }
0xf6: {  	s13 =	simm.s32 $0x2C0;
	s18 =	simm.s32 $0xB640;
	[sflag:s25] =	ssyncadd.s32 $0xFFFF3800  }
0xf7: {  	_ =	sfence.sel $0x180000  }
0xf8: {  	[bflag:$0x0] =	sbarrier.arrive $0xFFFF  }
0xf9: {  	_ =	strace $0x90000047  }
0xfa: {  	s0 =	stileid.u32;
	[bflag:$0x2] =	sbarrier.arrive $0xFFFF  }
0xfb: {  	p0 =	sne.s32 s0, $0x0;
	s0 =	rddreg [dreg:$0x2]  }
0xfc: {  	s0 =	sadd.s32 @!p0 $0x100000, s0  }
0xfd: {  	[sflag:s0] =	ssyncadd.tile.s32 @!p0 $0x1;
	_ =	shalt  }
.Lfunc_end2:
_tile_overlayer_lowered:
.L_overlay_start_2:
0xfe: {  	(tag) =	ssettag $0x2  }
0xff: {  	s0 =	rddreg [dreg:$0x0];
	s2 =	stileid.u32  }
0x100: {  	s1 =	rddreg [dreg:$0x1];
	p0 =	sne.s32 s2, $0x0  }
0x101: {  	s3 =	rddreg [dreg:$0x2];
	[bflag:$0x3] =	sbarrier.arrive $0xFFFF;
	s2 =	simm.s32 @!p0 $0x1C05  }
0x102: {  	[timem:s3], [sflag:s2] =	dma.local @!p0 [hbm:s0], s1  }
0x103: {  	s0 =	simm.s32 @!p0 $0x5  }
0x104: {  	_ =	swait.ge @!p0 [sflag:s0], s1  }
0x105: {  	s1 =	ssub.s32 @!p0 $0x0, s1;
	[sflag:s0] =	ssyncset.done @!p0 $0x0  }
0x106: {  	[sflag:s0] =	ssyncadd.s32 @!p0 s1  }
0x107: {  	[bflag:$0x3] =	sbarrier.arrive $0xFFFF  }
0x108: {  	_ =	shalt  }

// kernel: sparse-core-data-format-call.cloned.1.call-start
scs
called_computation_lowered:
.L_overlay_start_0:
0x0: {  	s2 =	sld [smem:$0x3FD9]  }
0x1: {  	s3 =	sld [smem:$0x3FFE];
	_ =	sdelay $0x1  }
0x2: {  	s1 =	srdreg.scid  }
0x3: {  	s0 =	sand.u32 $0x1, s1  }
0x4: {  	s18 =	sshll.u32 s0, $0xA;
	s2 =	sadd.s32 s3, s2  }
0x5: {  	s2 =	sadd.s32 s2, s18  }
0x6: {  	[smem:$0x3FC6] =	sst s2  }
0x7: {  	_ = 	snop  }
0x8: {  	s2 =	sld [smem:$0x3FD0];
	(tm) =	ssettm $0x1  }
0x9: {  	s19 =	sld [smem:$0x3FFB];
	_ =	sdelay $0x3  }
0xa: {  	_ =	strace s19  }
0xb: {  	s3 =	sld [smem:$0x3FFC];
	_ =	sdelay $0x3  }
0xc: {  	_ =	strace s3  }
0xd: {  	s3 =	sld [smem:$0x3FFD];
	_ =	sdelay $0x3  }
0xe: {  	_ =	strace s3  }
0xf: {  	_ =	strace $0x8FFFFFFF  }
0x10: {  	s20 =	sld [smem:$0x3FDB];
	_ =	sdelay $0x1  }
0x11: {  	s4 =	simm.s32 $_scs_section_size  }
0x12: {  	s5 =	simm.s32 $_size__tile_overlayer_lowered;
	s6 =	simm.s32 $_tile_overlayer_lowered  }
0x13: {  	s23 =	simm.s32 $0x1BFF;
	s22 =	sshll.u32 s6, $0x1;
	s3 =	sadd.s32 s4, s20  }
0x14: {  	s7 =	simm.s32 $0x0;
	s21 =	sshll.u32 s5, $0x1;
	s5 =	sadd.s32 s22, s3  }
0x15: {  	[timem:s7], [sflag:s23] =	dma.local [hbm:s5], s21  }
0x16: {  	_ =	swait.ge [sflag:s23], s21  }
0x17: {  	s4 =	ssub.s32 $0x0, s21;
	[sflag:s23] =	ssyncset.done $0x0  }
0x18: {  	[sflag:s23] =	ssyncadd.s32 s4;
	_ =	sdelay $0x1  }
0x19: {  	s24 =	simm.s32 $0x1B8B  }
0x1a: {  	_ =	swait.ge [sflag:s24], $0x1  }
0x1b: {  	[sflag:s24] =	ssyncset.done $0x0  }
0x1c: {  	s26 =	simm.s32 $0x1B8E;
	s25 =	sld [smem:$0x3FFE];
	[sflag:s24] =	ssyncadd.s32 $0xFFFFFFFF  }
0x1d: {  	s27 =	simm.s32 $execute0_lowered;
	[smem:$0x3FD2] =	sst s26  }
0x1e: {  	s5 =	sshll.u32 s27, $0x1;
	_ =	strace $0x80000049;
	[dreg:$0x1] =	wrdreg $0xFFFFFFFF  }
0x1f: {  	s28 =	simm.s32 $_size_execute0_lowered;
	s3 =	sadd.s32 s3, s5;
	[dreg:$0x0] =	wrdreg $0x0  }
0x20: {  	s5 =	sshll.u32 s28, $0x1;
	[dreg:$0x2] =	wrdreg s3  }
0x21: {  	[dreg:$0x3] =	wrdreg s5  }
0x22: {  	[dreg:$0x4] =	wrdreg $0xC0  }
0x23: {  	_ =	task [dreg:s7], $0x5FFFF  }
0x24: {  	[dreg:$0x1] =	wrdreg $0xFFFFFFFF  }
0x25: {  	[dreg:$0x0] =	wrdreg $0x60  }
0x26: {  	[dreg:$0x2] =	wrdreg s25  }
0x27: {  	[dreg:$0x3] =	wrdreg s2  }
0x28: {  	[dreg:$0x4] =	wrdreg $0x9  }
0x29: {  	_ =	task.clear_ibuf [dreg:s7], $0x5FFFF;
	_ =	strace $0x90000049  }
0x2a: {  	s29 =	simm.s32 $0x9;
	_ =	strace $0x8000004B  }
0x2b: {  	_ =	swait.ge [sflag:s29], $0x1  }
0x2c: {  	[sflag:s29] =	ssyncadd.s32 $0xFFFFFFFF  }
0x2d: {  	_ =	strace $0x9000004B  }
0x2e: {  	_ =	sfence  }
0x2f: {  	s30 =	sld [smem:$0x0];
	_ =	sdelay $0x2  }
0x30: {  	s31 =	sshll.u32 s1, $0xD;
	s1 =	sshrl.u32 s1, $0x2  }
0x31: {  	s3 =	sand.u32 $0x4000, s31;
	s1 =	sadd.s32 s1, s30  }
0x32: {  	s0 =	sor.u32 s3, s0;
	s1 =	sshll.u32 s1, $0x11  }
0x33: {  	s0 =	sor.u32 s1, s0  }
0x34: {  	s0 =	sadd.s32 $0x8F2B, s0  }
0x35: {  	[sflag:s0] =	ssyncadd.remote.s32 $0x1  }
0x36: {  	_ =	sfence.sel $0xFFFF  }
0x37: {  	[dreg:$0x0] =	wrdreg $0xFFFFFFFF;
	(pc) =	sbr.abs _section_cstart, $3  }
0x38: {  	[dreg:$0x1] =	wrdreg $0xFFFFFFFF  }
0x39: {  	_ =	task.clear_ibuf [dreg:s7], $0x2FFFF;
	_ =	strace $0x9FFFFFFF  }
0x3a: {  	(tm) =	ssettm $0x7FFFFFFF  }
0x3b: {  	_ =	shalt  }
tec
execute0_lowered:
.L_overlay_start_1:
0x0: {  	(tag) =	ssettag $0x1  }
0x1: {  	s0 =	srdreg.scid  }
0x2: {  	s1 =	sshll.u32 s0, $0x4  }
0x3: {  	s0 =	stileid.u32;
	s1 =	sand.u32 $0x10, s1  }
0x4: {  	s1 =	sor.u32 s0, s1  }
0x5: {  	s6 =	rddreg [dreg:$0x0];
	s4 =	simm.s32 $0x1;
	s2 =	sshll.u32 s1, $0x7  }
0x6: {  	s7 =	simm.s32 $0x2;
	s12 =	simm.s32 $0x0;
	s1 =	ssub.s32 $0x1000, s2  }
0x7: {  	s8 =	simm.s32 $0x8000;
	s13 =	simm.s32 $0x0;
	s3 =	sand.u32 $0xF80, s1  }
0x8: {  	s9 =	simm.s32 $0x0;
	s5 =	sshrl.u32 s1, $0xC;
	p0 =	sne.s32 s3, $0x0  }
.Ltmp0:
0x9: {  	s1 =	rddreg [dreg:$0x2];
	s4 =	simm.s32 @!p0 $0x0;
	(pc) =	sbr.rel .LBB1_1-.Ltmp0, $4  }
0xa: {  	s11 =	simm.s32 $0x0;
	s3 =	rddreg [dreg:$0x1];
	s5 =	sadd.s32 s4, s5  }
0xb: {  	_ =	strace $0x8000004A;
	s4 =	simm.s32 $0x1;
	s5 =	smul.u32 $0xC8, s5  }
0xc: {  	s6 =	sadd.s32 $0xA00, s6;
	s10 =	smov.u32 s2;
	[sflag:s4] =	ssyncpa.u1 $0x0  }
0xd: {  	p0 =	por $0x0, $0x0;
	[sflag:s7] =	ssyncpa.u1 $0x0;
	s7 =	sor.u32 $0x1, s5  }
.LBB1_4:
0xe: {  	s16 =	sshll.u32 s13, $0x3;
	s17 =	sand.u32 $0x78, s13  }
0xf: {  	s30 =	sand.u32 $0x7E00, s13;
	s12 =	sshll.u32 s12, $0xF;
	s16 =	sand.u32 $0xC00, s16  }
0x10: {  	[tilespmem:s15+$0x810 ss:$0x81] =	vst.msk $0xffff, v2;
	s31 =	sand.u32 $0x7, s13;
	s16 =	sor.u32 s17, s16;
	s17 =	sadd.s32 s3, s30  }
0x11: {  	[tilespmem:s15+$0x1020 ss:$0x81] =	vst.msk $0xffff, v0;
	s13 =	sshll.u32 s31, $0x12;
	s12 =	sadd.s32 s12, s17;
	s16 =	sshrl.u32 s16, $0x3  }
0x12: {  	[tilespmem:s15+$0x0 ss:$0x81] =	vst.msk $0xffff, v1;
	s13 =	sor.u32 $0x400, s13;
	s12 =	sadd.s32 s16, s12  }
0x13: {  	[hbm4b:s12+s13] =	stream.strided.scatter [tilespmem:s14], [sflag:$0x2], $0x2000, s8, s13, $0x20;
	[tilespmem:$0x8080] =	vst v63  }
.LBB1_5:
0x14: {  	s14 =	sadd.s32 $0x1, s9  }
0x15: {  	s12 =	sadd.s32 $0x1000, s10;
	s16 =	smov.u32 s10;
	p2 =	sgt.s32 s14, $0xC7  }
0x16: {  	s16 =	smov.u32 @p2 s12  }
0x17: {  	s14 =	simm.s32 @p2 $0x0;
	p2 =	sgt.s32 s16, $0xFFF  }
0x18: {  	s16 =	smov.u32 @p2 s2;
	p2 =	sne.s32 s11, s7  }
.Ltmp1:
0x19: {  	p1 =	slt.u32 s11, $0x2;
	(pc) =	sbr.rel @!p2 .LBB1_6-.Ltmp1, $4  }
0x1a: {  	s15 =	simm.s32 @!p1 $0x2  }
0x1b: {  	s13 =	smov.u32 s10;
	p0 =	por !p0, !p0;
	_ =	swait.ge @!p1 [sflag:s15], $0x2000  }
0x1c: {  	s12 =	smov.u32 s9;
	[sflag:s15] =	ssyncset.done @!p1 $0x0;
	s9 =	smov.u32 s14  }
0x1d: {  	s11 =	sadd.s32 $0x1, s11;
	[sflag:s15] =	ssyncadd.s32 @!p1 $0xFFFFE000;
	s10 =	smov.u32 s16  }
.LBB1_1:
0x1e: {  	p1 =	sge.u32 s11, s5  }
0x1f: {  	s14 =	sand.u32 @!p1 $0x1FFFFFF, s9  }
0x20: {  	s15 =	smulhi.u32 @!p1 $0x147AE15, s14;
	_ =	sdelay $0x1  }
0x21: {  	s15 =	smul.u32 @!p1 $0xC8, s15  }
0x22: {  	s16 =	sxor.u32 @!p1 $0xFFFFFFFF, s11;
	s17 =	smul.u32 @!p1 $0xC80, s10  }
0x23: {  	s31 =	sadd.s32 $0xFFFFFFFF, s11;
	s16 =	sshll.u32 @!p1 s16, $0xD;
	s14 =	ssub.s32 @!p1 s14, s15  }
0x24: {  	s15 =	sand.u32 @!p1 $0x2000, s16;
	s16 =	sadd.s32 @!p1 s6, s17;
	s14 =	sshll.u32 @!p1 s14, $0x4  }
0x25: {  	s17 =	simm.s32 @!p1 $0x6400;
	s14 =	sadd.s32 @!p1 s14, s16;
	s16 =	simm.s32 @!p1 $0x40  }
0x26: {  	[tilespmem:s15], [sflag:$0x1] =	stream.strided.gather @!p1 [hbm4b:s14+s16], $0x2000, s17, s16, $0x38;
	[tilespmem:$0x8080] =	vst v63  }
0x27: {  	p1 =	sge.u32 s31, s5  }
.Ltmp2:
0x28: {  	_ = 	snop;
	(pc) =	sbr.rel @p1 .LBB1_5-.Ltmp2, $1  }
0x29: {  	_ =	sdelay $0x3  }
0x2a: {  	s14 =	simm.s32 $0x1  }
0x2b: {  	_ =	swait.ge [sflag:s4], $0x2000;
	s14 =	simm.s32 @!p0 $0x0  }
0x2c: {  	[sflag:s4] =	ssyncset.done $0x0;
	s15 =	sshll.u32 s14, $0xD  }
0x2d: {  	[sflag:s4] =	ssyncadd.s32 $0xFFFFE000;
	s18 =	sor.u32 $0x20, s15  }
0x2e: {  	s14 =	smul.u32 $0x8100, s14;
	v3 =	vld [tilespmem:s18+$0x10]  }
0x2f: {  	s30 =	sand.u32 $0x1, s11;
	v2 =	vld [tilespmem:s18+$0xFFFFFFF0]  }
0x30: {  	s15 =	smul.u32 $0x8100, s30;
	s14 =	sshrl.u32 s14, $0x2;
	v0 =	vld [tilespmem:s18+$0x0]  }
0x31: {  	v1 =	vld [tilespmem:s18+$0xFFFFFFE0];
	s16 =	sor.u32 $0x4000, s14  }
0x32: {  	s31 =	sshrl.u32 s15, $0x2;
	s15 =	sadd.s32 $0x0, s16  }
0x33: {  	s17 =	simm.s32 $0x4;
	s18 =	sadd.s32 $0x40, s18;
	s14 =	sor.u32 $0x4000, s31;
	[tilespmem:s15+$0x1830 ss:$0x81] =	vst.msk $0xffff, v3  }
.LBB1_3:
0x34: {  	v3 =	vld [tilespmem:s18+$0x10];
	p1 =	sne.s32 s17, $0x1FC;
	[tilespmem:s15+$0x810 ss:$0x81] =	vst.msk $0xffff, v2;
	s19 =	smov.u32 s17;
	s17 =	sadd.s32 $0x4, s17  }
.Ltmp3:
0x35: {  	v2 =	vld [tilespmem:s18+$0xFFFFFFF0];
	[tilespmem:s15+$0x1020 ss:$0x81] =	vst.msk $0xffff, v0;
	(pc) =	sbr.rel @p1 .LBB1_3-.Ltmp3, $4  }
0x36: {  	v0 =	vld [tilespmem:s18+$0x0];
	[tilespmem:s15+$0x0 ss:$0x81] =	vst.msk $0xffff, v1  }
0x37: {  	s15 =	sshra.s32 s19, $0x2;
	v1 =	vld [tilespmem:s18+$0xFFFFFFE0]  }
0x38: {  	s15 =	sadd.s32 s15, s16  }
0x39: {  	s18 =	sadd.s32 $0x40, s18;
	[tilespmem:s15+$0x1830 ss:$0x81] =	vst.msk $0xffff, v3  }
.Ltmp4:
0x3a: {  	_ = 	snop;
	(pc) =	sbr.rel .LBB1_4-.Ltmp4, $1  }
0x3b: {  	_ =	sdelay $0x3  }
.LBB1_6:
0x3c: {  	_ =	sfence.sel $0x180000  }
0x3d: {  	s2 =	simm.s32 $0x1;
	[bflag:$0x0] =	sbarrier.arrive $0xFFFF  }
0x3e: {  	s31 =	simm.s32 $0x2;
	[sflag:s2] =	ssyncpa.u1 $0x1  }
0x3f: {  	[sflag:s31] =	ssyncpa.u1 $0x1  }
0x40: {  	p0 =	sne.s32 s0, $0x0;
	_ =	strace $0x9000004A  }
0x41: {  	s0 =	sadd.s32 @!p0 $0x100000, s1;
	[bflag:$0x2] =	sbarrier.arrive $0xFFFF  }
0x42: {  	[sflag:s0] =	ssyncadd.tile.s32 @!p0 $0x1;
	_ =	shalt  }
.Lfunc_end1:
_tile_overlayer_lowered:
.L_overlay_start_2:
0x43: {  	(tag) =	ssettag $0x2  }
0x44: {  	s0 =	rddreg [dreg:$0x0];
	s2 =	stileid.u32  }
0x45: {  	s1 =	rddreg [dreg:$0x1];
	p0 =	sne.s32 s2, $0x0  }
0x46: {  	s3 =	rddreg [dreg:$0x2];
	[bflag:$0x3] =	sbarrier.arrive $0xFFFF;
	s2 =	simm.s32 @!p0 $0x1C01  }
0x47: {  	[timem:s3], [sflag:s2] =	dma.local @!p0 [hbm:s0], s1  }
0x48: {  	s0 =	simm.s32 @!p0 $0x1  }
0x49: {  	_ =	swait.ge @!p0 [sflag:s0], s1  }
0x4a: {  	s1 =	ssub.s32 @!p0 $0x0, s1;
	[sflag:s0] =	ssyncset.done @!p0 $0x0  }
0x4b: {  	[sflag:s0] =	ssyncadd.s32 @!p0 s1  }
0x4c: {  	[bflag:$0x3] =	sbarrier.arrive $0xFFFF  }
0x4d: {  	_ =	shalt  }

</sc_bundles>
